<compile_context>
chip_gen: v7x
topology: tpu7x:2x2x1
jax: 0.10.2.dev20260603
libtpu: 0.0.44.dev20260713+nightly
codegen_flags: <defaults>
</compile_context>

<pallas_src>
import functools

import jax
import jax.numpy as jnp
from jax import lax
from jax.experimental import pallas as pl
from jax.experimental.pallas import tpu as pltpu
from jax.experimental.pallas import tpu_sc as plsc

_B = 16384
_N_UP = 1000000
_D_UP = 64
_D_SM = 32
_D_MODEL = 512

_NC = 2
_NS = 16
_NW = _NC * _NS
_BPW = _B // _NW
_CHUNK = 128
_NCHUNK = _BPW // _CHUNK

_RB = 32768


def _repack_body(tblT, out):
    tb = jnp.transpose(tblT[...].astype(jnp.bfloat16))
    t16 = lax.bitcast_convert_type(tb, jnp.uint16).astype(jnp.uint32)
    p = t16[: _RB // 2, :] | (t16[_RB // 2:, :] << 16)
    out_u = jnp.concatenate([p[: _RB // 4, :], p[_RB // 4:, :]], axis=-1)
    out[...] = lax.bitcast_convert_type(out_u, jnp.float32)


def _repack(tblT):
    grid = (pl.cdiv(_N_UP, _RB),)
    return pl.pallas_call(
        _repack_body,
        grid=grid,
        in_specs=[pl.BlockSpec((_D_UP, _RB), lambda i: (0, i))],
        out_specs=pl.BlockSpec((_RB // 4, 2 * _D_UP), lambda i: (i, 0)),
        out_shape=jax.ShapeDtypeStruct(
            (pl.cdiv(_N_UP, _RB) * (_RB // 4), 2 * _D_UP), jnp.float32),
        compiler_params=pltpu.CompilerParams(
            dimension_semantics=("parallel",),
        ),
    )(tblT)


def _sc_gather_body(jh, R, out, idx_v, rows_v, sem):
    wid = lax.axis_index("s") * _NC + lax.axis_index("c")
    base = wid * _BPW

    pltpu.sync_copy(jh.at[pl.ds(base, _BPW)], idx_v)
    copies = []
    for j in range(_NCHUNK):
        copies.append(pltpu.async_copy(
            R.at[idx_v.at[pl.ds(j * _CHUNK, _CHUNK)]],
            rows_v.at[pl.ds(j * _CHUNK, _CHUNK)], sem))
    for c in copies:
        c.wait()
    pltpu.sync_copy(rows_v, out.at[pl.ds(base, _BPW)])


@functools.cache
def _sc_gather():
    return pl.kernel(
        _sc_gather_body,
        out_type=jax.ShapeDtypeStruct((_B, 2 * _D_UP), jnp.float32),
        mesh=plsc.VectorSubcoreMesh(core_axis_name="c", subcore_axis_name="s",
                                    num_cores=_NC, num_subcores=_NS),
        scratch_types=[
            pltpu.VMEM((_BPW,), jnp.int32),
            pltpu.VMEM((_BPW, 2 * _D_UP), jnp.float32),
            pltpu.SemaphoreType.DMA,
        ],
    )


_BLK = 2048


def _onehot_part(idx_ref, tab_ref, w_slice, n_rows):
    idx = idx_ref[0]
    iota = lax.broadcasted_iota(jnp.int32, (n_rows, _BLK), 0)
    oh = jnp.equal(iota, idx).astype(jnp.float32)
    m = jnp.dot(tab_ref[...], w_slice, preferred_element_type=jnp.float32)
    return lax.dot_general(oh, m, (((0,), (0,)), ((), ())),
                           preferred_element_type=jnp.float32)


def _mlp_body(g_up, rem, pf, dt, lk, pf_tab, dt_tab, lk_tab,
              w1dd, W1, b1, gamma, beta, W2, b2, out):
    g_u = lax.bitcast_convert_type(g_up[...], jnp.uint32)
    f_lo = lax.bitcast_convert_type(g_u << 16, jnp.float32)
    f_hi = lax.bitcast_convert_type(g_u & jnp.uint32(0xFFFF0000), jnp.float32)
    u2 = lax.broadcasted_iota(jnp.int32, (_BLK, 2 * _D_UP), 1) // _D_UP
    m_lo = jnp.equal(rem[...], 2 * u2).astype(jnp.float32)
    m_hi = jnp.equal(rem[...], 2 * u2 + 1).astype(jnp.float32)
    e = f_lo * m_lo + f_hi * m_hi
    h = jnp.dot(e, w1dd[...], preferred_element_type=jnp.float32)
    h = h + _onehot_part(pf, pf_tab, W1[64:96, :], 10)
    h = h + _onehot_part(dt, dt_tab, W1[96:128, :], 12)
    h = h + _onehot_part(lk, lk_tab, W1[128:160, :], 10)
    h = h + b1[...]
    mean = jnp.mean(h, axis=-1, keepdims=True)
    c = h - mean
    var = jnp.mean(c * c, axis=-1, keepdims=True)
    h = c * lax.rsqrt(var + 1e-5) * gamma[...] + beta[...]
    h = jnp.maximum(h, 0.0)
    out[...] = jnp.dot(h, W2[...], preferred_element_type=jnp.float32) + b2[...]


def _mlp(g_up, rem, pf, dt, lk, pf_tab, dt_tab, lk_tab,
         w1dd, W1, b1, gamma, beta, W2, b2):
    grid = (_B // _BLK,)
    return pl.pallas_call(
        _mlp_body,
        grid=grid,
        in_specs=[
            pl.BlockSpec((_BLK, 2 * _D_UP), lambda i: (i, 0)),
            pl.BlockSpec((_BLK, 1), lambda i: (i, 0)),
            pl.BlockSpec((1, 1, _BLK), lambda i: (i, 0, 0)),
            pl.BlockSpec((1, 1, _BLK), lambda i: (i, 0, 0)),
            pl.BlockSpec((1, 1, _BLK), lambda i: (i, 0, 0)),
            pl.BlockSpec((10, _D_SM), lambda i: (0, 0)),
            pl.BlockSpec((12, _D_SM), lambda i: (0, 0)),
            pl.BlockSpec((10, _D_SM), lambda i: (0, 0)),
            pl.BlockSpec((2 * _D_UP, _D_MODEL), lambda i: (0, 0)),
            pl.BlockSpec((160, _D_MODEL), lambda i: (0, 0)),
            pl.BlockSpec((1, _D_MODEL), lambda i: (0, 0)),
            pl.BlockSpec((1, _D_MODEL), lambda i: (0, 0)),
            pl.BlockSpec((1, _D_MODEL), lambda i: (0, 0)),
            pl.BlockSpec((_D_MODEL, _D_MODEL), lambda i: (0, 0)),
            pl.BlockSpec((1, _D_MODEL), lambda i: (0, 0)),
        ],
        out_specs=pl.BlockSpec((_BLK, _D_MODEL), lambda i: (i, 0)),
        out_shape=jax.ShapeDtypeStruct((_B, _D_MODEL), jnp.float32),
        compiler_params=pltpu.CompilerParams(
            dimension_semantics=("arbitrary",),
        ),
    )(g_up, rem, pf, dt, lk, pf_tab, dt_tab, lk_tab,
      w1dd, W1, b1, gamma, beta, W2, b2)


def kernel(uploader, platform, date, likes, uploader_table, platform_table,
           date_table, likes_table, W1, b1, gamma, beta, W2, b2):
    nb = _B // _BLK
    upl = uploader.astype(jnp.int32)
    R = _repack(uploader_table.T)
    w = upl % _RB
    eta = w // (_RB // 2)
    r = w % (_RB // 2)
    v = r // (_RB // 4)
    q = (upl // _RB) * (_RB // 4) + (r % (_RB // 4))
    rem = 2 * v + eta
    g_up = _sc_gather()(q, R)

    w1dd = jnp.tile(W1[0:_D_UP, :], (2, 1))
    out = _mlp(g_up, rem.reshape(_B, 1),
               platform.astype(jnp.int32).reshape(nb, 1, _BLK),
               date.astype(jnp.int32).reshape(nb, 1, _BLK),
               likes.astype(jnp.int32).reshape(nb, 1, _BLK),
               platform_table, date_table, likes_table,
               w1dd,
               W1, b1.reshape(1, _D_MODEL), gamma.reshape(1, _D_MODEL),
               beta.reshape(1, _D_MODEL), W2, b2.reshape(1, _D_MODEL))
    return out[:, None, :]

# --- scband reference (transcript-rebuilt; emitter-appended) ---
"""Pipeline reference for scband-metadata-encoder-69956427317804 (READ-ONLY COPY).

The authoritative reference and input builder live on the scoring server;
editing this copy changes nothing except your own understanding.
"""

import jax, jax.numpy as jnp
import numpy as np

B = 16384
N_UPLOADERS = 1000000
N_PLATFORMS = 10
N_DATE = 12
N_LIKES = 10
D_MODEL = 512
TOTAL_DIM = 64 + 32 + 32 + 32


def setup_inputs(seed: int = 0) -> dict:
    key = jax.random.key(seed)
    ks = jax.random.split(key, 14)
    uploader = jax.random.randint(ks[0], (B,), 0, N_UPLOADERS, dtype=jnp.int64) if jax.config.jax_enable_x64 else jax.random.randint(ks[0], (B,), 0, N_UPLOADERS, dtype=jnp.int32)
    platform = jax.random.randint(ks[1], (B,), 0, N_PLATFORMS, dtype=jnp.int32)
    date = jax.random.randint(ks[2], (B,), 0, N_DATE, dtype=jnp.int32)
    likes = jax.random.randint(ks[3], (B,), 0, N_LIKES, dtype=jnp.int32)
    uploader_table = jax.random.normal(ks[4], (N_UPLOADERS, 64), dtype=jnp.float32)
    platform_table = jax.random.normal(ks[5], (N_PLATFORMS, 32), dtype=jnp.float32)
    date_table = jax.random.normal(ks[6], (N_DATE, 32), dtype=jnp.float32)
    likes_table = jax.random.normal(ks[7], (N_LIKES, 32), dtype=jnp.float32)
    W1 = jax.random.normal(ks[8], (TOTAL_DIM, D_MODEL), dtype=jnp.float32) * (1.0 / np.sqrt(TOTAL_DIM))
    b1 = jnp.zeros((D_MODEL,), dtype=jnp.float32)
    gamma = jnp.ones((D_MODEL,), dtype=jnp.float32)
    beta = jnp.zeros((D_MODEL,), dtype=jnp.float32)
    W2 = jax.random.normal(ks[9], (D_MODEL, D_MODEL), dtype=jnp.float32) * (1.0 / np.sqrt(D_MODEL))
    b2 = jnp.zeros((D_MODEL,), dtype=jnp.float32)
    return {"uploader": uploader, "platform": platform, "date": date, "likes": likes,
            "uploader_table": uploader_table, "platform_table": platform_table,
            "date_table": date_table, "likes_table": likes_table,
            "W1": W1, "b1": b1, "gamma": gamma, "beta": beta, "W2": W2, "b2": b2}


def _layer_norm(x, gamma, beta, eps=1e-5):
    mean = jnp.mean(x, axis=-1, keepdims=True)
    var = jnp.var(x, axis=-1, keepdims=True)
    return (x - mean) / jnp.sqrt(var + eps) * gamma + beta


def reference(uploader, platform, date, likes, uploader_table, platform_table, date_table, likes_table, W1, b1, gamma, beta, W2, b2):
    e_up = jnp.take(uploader_table, uploader, axis=0)
    e_pf = jnp.take(platform_table, platform, axis=0)
    e_dt = jnp.take(date_table, date, axis=0)
    e_lk = jnp.take(likes_table, likes, axis=0)
    combined = jnp.concatenate([e_up, e_pf, e_dt, e_lk], axis=-1)
    h = combined @ W1 + b1
    h = _layer_norm(h, gamma, beta)
    h = jax.nn.relu(h)
    # dropout is identity in eval mode
    tokens = h @ W2 + b2
    tokens = tokens[:, None, :]
    return tokens

if __name__ == "__main__":
    import jax
    _d = setup_inputs()
    print(jax.jit(kernel)(*tuple(_d.values())))

</pallas_src>

<mosaic_0001>
#map = affine_map<(d0, d1) -> (0)>
#map1 = affine_map<(d0, d1) -> (0, 0)>
module attributes {stable_mosaic.version = 14 : i64} {
  func.func @_sc_gather_body(%arg0: i32, %arg1: i32, %arg2: memref<16384xi32, #tpu.memory_space<hbm>>, %arg3: memref<253952x128xf32, #tpu.memory_space<hbm>>, %arg4: memref<16384x128xf32, #tpu.memory_space<hbm>>, %arg5: memref<512xi32, #tpu.memory_space<vmem>>, %arg6: memref<512x128xf32, #tpu.memory_space<vmem>>, %arg7: memref<!tpu.dma_semaphore, #tpu.memory_space<semaphore_mem>>) attributes {dimension_semantics = [#tpu.dimension_semantics<core_parallel>, #tpu.dimension_semantics<subcore_parallel>], iteration_bounds = array<i64: 2, 16>, scalar_prefetch = 0 : i64, scratch_operands = 3 : i64, tpu.core_type = #tpu.core_type<sc_vector_subcore>, window_params = [{transform_indices = #map}, {transform_indices = #map1}, {transform_indices = #map1}]} {
    %mul3A = arith.constant 2 : i32
    %mul3A_0 = arith.muli %arg1, %mul3A : i32
    %add3A = arith.addi %mul3A_0, %arg0 : i32
    %mul3A_1 = arith.constant 512 : i32
    %mul3A_2 = arith.muli %add3A, %mul3A_1 : i32
    "tpu.region"() ({
      %run_scoped3A = tpu.sem_alloc : memref<!tpu.dma_semaphore, #tpu.memory_space<semaphore_mem>>
      %dma_start3A_65 = tpu.memref_slice %arg2[%mul3A_2] : memref<16384xi32, #tpu.memory_space<hbm>> -> memref<512xi32, #tpu.memory_space<hbm>>
      %dma_start3A_66 = tpu.memref_slice %arg2[%mul3A_2] : memref<16384xi32, #tpu.memory_space<hbm>> -> memref<512xi32, #tpu.memory_space<hbm>>
      tpu.enqueue_dma source(%dma_start3A_66 : memref<512xi32, #tpu.memory_space<hbm>>) target(%arg5 : memref<512xi32, #tpu.memory_space<vmem>>) target_semaphore(%run_scoped3A : memref<!tpu.dma_semaphore, #tpu.memory_space<semaphore_mem>>)
      %dma_wait3A_67 = tpu.memref_slice %arg2[%mul3A_2] : memref<16384xi32, #tpu.memory_space<hbm>> -> memref<512xi32, #tpu.memory_space<hbm>>
      %dma_wait3A_68 = tpu.memref_slice %arg2[%mul3A_2] : memref<16384xi32, #tpu.memory_space<hbm>> -> memref<512xi32, #tpu.memory_space<hbm>>
      tpu.wait_dma2 semaphore(%run_scoped3A : memref<!tpu.dma_semaphore, #tpu.memory_space<semaphore_mem>>) src(%dma_wait3A_68 : memref<512xi32, #tpu.memory_space<hbm>>) dst(%arg5 : memref<512xi32, #tpu.memory_space<vmem>>)
      tpu.yield
    }) : () -> ()
    %dma_start3A = arith.constant 0 : i32
    %dma_start3A_3 = arith.constant 0 : i32
    %dma_start3A_4 = tpu.memref_slice %arg6[%dma_start3A, %dma_start3A_3] : memref<512x128xf32, #tpu.memory_space<vmem>> -> memref<128x128xf32, #tpu.memory_space<vmem>>
    %dma_start3A_5 = arith.constant 0 : i32
    %dma_start3A_6 = tpu.memref_slice %arg5[%dma_start3A_5] : memref<512xi32, #tpu.memory_space<vmem>> -> memref<128xi32, #tpu.memory_space<vmem>>
    %dma_start3A_7 = arith.constant 0 : i32
    %dma_start3A_8 = arith.constant 0 : i32
    %dma_start3A_9 = tpu.memref_slice %arg3[%dma_start3A_7, %dma_start3A_8] : memref<253952x128xf32, #tpu.memory_space<hbm>> -> memref<253952x128xf32, #tpu.memory_space<hbm>>
    tpu.enqueue_indirect_dma source(%dma_start3A_9 : memref<253952x128xf32, #tpu.memory_space<hbm>>) target(%dma_start3A_4 : memref<128x128xf32, #tpu.memory_space<vmem>>) offsets(%dma_start3A_6 : memref<128xi32, #tpu.memory_space<vmem>>) semaphore(%arg7 : memref<!tpu.dma_semaphore, #tpu.memory_space<semaphore_mem>>)
    %dma_start3A_10 = arith.constant 128 : i32
    %dma_start3A_11 = arith.constant 0 : i32
    %dma_start3A_12 = tpu.memref_slice %arg6[%dma_start3A_10, %dma_start3A_11] : memref<512x128xf32, #tpu.memory_space<vmem>> -> memref<128x128xf32, #tpu.memory_space<vmem>>
    %dma_start3A_13 = arith.constant 128 : i32
    %dma_start3A_14 = tpu.memref_slice %arg5[%dma_start3A_13] : memref<512xi32, #tpu.memory_space<vmem>> -> memref<128xi32, #tpu.memory_space<vmem>>
    %dma_start3A_15 = arith.constant 0 : i32
    %dma_start3A_16 = arith.constant 0 : i32
    %dma_start3A_17 = tpu.memref_slice %arg3[%dma_start3A_15, %dma_start3A_16] : memref<253952x128xf32, #tpu.memory_space<hbm>> -> memref<253952x128xf32, #tpu.memory_space<hbm>>
    tpu.enqueue_indirect_dma source(%dma_start3A_17 : memref<253952x128xf32, #tpu.memory_space<hbm>>) target(%dma_start3A_12 : memref<128x128xf32, #tpu.memory_space<vmem>>) offsets(%dma_start3A_14 : memref<128xi32, #tpu.memory_space<vmem>>) semaphore(%arg7 : memref<!tpu.dma_semaphore, #tpu.memory_space<semaphore_mem>>)
    %dma_start3A_18 = arith.constant 256 : i32
    %dma_start3A_19 = arith.constant 0 : i32
    %dma_start3A_20 = tpu.memref_slice %arg6[%dma_start3A_18, %dma_start3A_19] : memref<512x128xf32, #tpu.memory_space<vmem>> -> memref<128x128xf32, #tpu.memory_space<vmem>>
    %dma_start3A_21 = arith.constant 256 : i32
    %dma_start3A_22 = tpu.memref_slice %arg5[%dma_start3A_21] : memref<512xi32, #tpu.memory_space<vmem>> -> memref<128xi32, #tpu.memory_space<vmem>>
    %dma_start3A_23 = arith.constant 0 : i32
    %dma_start3A_24 = arith.constant 0 : i32
    %dma_start3A_25 = tpu.memref_slice %arg3[%dma_start3A_23, %dma_start3A_24] : memref<253952x128xf32, #tpu.memory_space<hbm>> -> memref<253952x128xf32, #tpu.memory_space<hbm>>
    tpu.enqueue_indirect_dma source(%dma_start3A_25 : memref<253952x128xf32, #tpu.memory_space<hbm>>) target(%dma_start3A_20 : memref<128x128xf32, #tpu.memory_space<vmem>>) offsets(%dma_start3A_22 : memref<128xi32, #tpu.memory_space<vmem>>) semaphore(%arg7 : memref<!tpu.dma_semaphore, #tpu.memory_space<semaphore_mem>>)
    %dma_start3A_26 = arith.constant 384 : i32
    %dma_start3A_27 = arith.constant 0 : i32
    %dma_start3A_28 = tpu.memref_slice %arg6[%dma_start3A_26, %dma_start3A_27] : memref<512x128xf32, #tpu.memory_space<vmem>> -> memref<128x128xf32, #tpu.memory_space<vmem>>
    %dma_start3A_29 = arith.constant 384 : i32
    %dma_start3A_30 = tpu.memref_slice %arg5[%dma_start3A_29] : memref<512xi32, #tpu.memory_space<vmem>> -> memref<128xi32, #tpu.memory_space<vmem>>
    %dma_start3A_31 = arith.constant 0 : i32
    %dma_start3A_32 = arith.constant 0 : i32
    %dma_start3A_33 = tpu.memref_slice %arg3[%dma_start3A_31, %dma_start3A_32] : memref<253952x128xf32, #tpu.memory_space<hbm>> -> memref<253952x128xf32, #tpu.memory_space<hbm>>
    tpu.enqueue_indirect_dma source(%dma_start3A_33 : memref<253952x128xf32, #tpu.memory_space<hbm>>) target(%dma_start3A_28 : memref<128x128xf32, #tpu.memory_space<vmem>>) offsets(%dma_start3A_30 : memref<128xi32, #tpu.memory_space<vmem>>) semaphore(%arg7 : memref<!tpu.dma_semaphore, #tpu.memory_space<semaphore_mem>>)
    %dma_wait3A = arith.constant 0 : i32
    %dma_wait3A_34 = arith.constant 0 : i32
    %dma_wait3A_35 = tpu.memref_slice %arg6[%dma_wait3A, %dma_wait3A_34] : memref<512x128xf32, #tpu.memory_space<vmem>> -> memref<128x128xf32, #tpu.memory_space<vmem>>
    %dma_wait3A_36 = arith.constant 0 : i32
    %dma_wait3A_37 = tpu.memref_slice %arg5[%dma_wait3A_36] : memref<512xi32, #tpu.memory_space<vmem>> -> memref<128xi32, #tpu.memory_space<vmem>>
    %dma_wait3A_38 = arith.constant 0 : i32
    %dma_wait3A_39 = arith.constant 0 : i32
    %dma_wait3A_40 = tpu.memref_slice %arg3[%dma_wait3A_38, %dma_wait3A_39] : memref<253952x128xf32, #tpu.memory_space<hbm>> -> memref<253952x128xf32, #tpu.memory_space<hbm>>
    tpu.wait_indirect_dma semaphore(%arg7 : memref<!tpu.dma_semaphore, #tpu.memory_space<semaphore_mem>>) src(%dma_wait3A_40 : memref<253952x128xf32, #tpu.memory_space<hbm>>) dst(%dma_wait3A_35 : memref<128x128xf32, #tpu.memory_space<vmem>>)
    %dma_wait3A_41 = arith.constant 128 : i32
    %dma_wait3A_42 = arith.constant 0 : i32
    %dma_wait3A_43 = tpu.memref_slice %arg6[%dma_wait3A_41, %dma_wait3A_42] : memref<512x128xf32, #tpu.memory_space<vmem>> -> memref<128x128xf32, #tpu.memory_space<vmem>>
    %dma_wait3A_44 = arith.constant 128 : i32
    %dma_wait3A_45 = tpu.memref_slice %arg5[%dma_wait3A_44] : memref<512xi32, #tpu.memory_space<vmem>> -> memref<128xi32, #tpu.memory_space<vmem>>
    %dma_wait3A_46 = arith.constant 0 : i32
    %dma_wait3A_47 = arith.constant 0 : i32
    %dma_wait3A_48 = tpu.memref_slice %arg3[%dma_wait3A_46, %dma_wait3A_47] : memref<253952x128xf32, #tpu.memory_space<hbm>> -> memref<253952x128xf32, #tpu.memory_space<hbm>>
    tpu.wait_indirect_dma semaphore(%arg7 : memref<!tpu.dma_semaphore, #tpu.memory_space<semaphore_mem>>) src(%dma_wait3A_48 : memref<253952x128xf32, #tpu.memory_space<hbm>>) dst(%dma_wait3A_43 : memref<128x128xf32, #tpu.memory_space<vmem>>)
    %dma_wait3A_49 = arith.constant 256 : i32
    %dma_wait3A_50 = arith.constant 0 : i32
    %dma_wait3A_51 = tpu.memref_slice %arg6[%dma_wait3A_49, %dma_wait3A_50] : memref<512x128xf32, #tpu.memory_space<vmem>> -> memref<128x128xf32, #tpu.memory_space<vmem>>
    %dma_wait3A_52 = arith.constant 256 : i32
    %dma_wait3A_53 = tpu.memref_slice %arg5[%dma_wait3A_52] : memref<512xi32, #tpu.memory_space<vmem>> -> memref<128xi32, #tpu.memory_space<vmem>>
    %dma_wait3A_54 = arith.constant 0 : i32
    %dma_wait3A_55 = arith.constant 0 : i32
    %dma_wait3A_56 = tpu.memref_slice %arg3[%dma_wait3A_54, %dma_wait3A_55] : memref<253952x128xf32, #tpu.memory_space<hbm>> -> memref<253952x128xf32, #tpu.memory_space<hbm>>
    tpu.wait_indirect_dma semaphore(%arg7 : memref<!tpu.dma_semaphore, #tpu.memory_space<semaphore_mem>>) src(%dma_wait3A_56 : memref<253952x128xf32, #tpu.memory_space<hbm>>) dst(%dma_wait3A_51 : memref<128x128xf32, #tpu.memory_space<vmem>>)
    %dma_wait3A_57 = arith.constant 384 : i32
    %dma_wait3A_58 = arith.constant 0 : i32
    %dma_wait3A_59 = tpu.memref_slice %arg6[%dma_wait3A_57, %dma_wait3A_58] : memref<512x128xf32, #tpu.memory_space<vmem>> -> memref<128x128xf32, #tpu.memory_space<vmem>>
    %dma_wait3A_60 = arith.constant 384 : i32
    %dma_wait3A_61 = tpu.memref_slice %arg5[%dma_wait3A_60] : memref<512xi32, #tpu.memory_space<vmem>> -> memref<128xi32, #tpu.memory_space<vmem>>
    %dma_wait3A_62 = arith.constant 0 : i32
    %dma_wait3A_63 = arith.constant 0 : i32
    %dma_wait3A_64 = tpu.memref_slice %arg3[%dma_wait3A_62, %dma_wait3A_63] : memref<253952x128xf32, #tpu.memory_space<hbm>> -> memref<253952x128xf32, #tpu.memory_space<hbm>>
    tpu.wait_indirect_dma semaphore(%arg7 : memref<!tpu.dma_semaphore, #tpu.memory_space<semaphore_mem>>) src(%dma_wait3A_64 : memref<253952x128xf32, #tpu.memory_space<hbm>>) dst(%dma_wait3A_59 : memref<128x128xf32, #tpu.memory_space<vmem>>)
    "tpu.region"() ({
      %run_scoped3A = tpu.sem_alloc : memref<!tpu.dma_semaphore, #tpu.memory_space<semaphore_mem>>
      %dma_start3A_65 = arith.constant 0 : i32
      %dma_start3A_66 = tpu.memref_slice %arg4[%mul3A_2, %dma_start3A_65] : memref<16384x128xf32, #tpu.memory_space<hbm>> -> memref<512x128xf32, #tpu.memory_space<hbm>>
      %dma_start3A_67 = arith.constant 0 : i32
      %dma_start3A_68 = tpu.memref_slice %arg4[%mul3A_2, %dma_start3A_67] : memref<16384x128xf32, #tpu.memory_space<hbm>> -> memref<512x128xf32, #tpu.memory_space<hbm>>
      tpu.enqueue_dma source(%arg6 : memref<512x128xf32, #tpu.memory_space<vmem>>) target(%dma_start3A_68 : memref<512x128xf32, #tpu.memory_space<hbm>>) target_semaphore(%run_scoped3A : memref<!tpu.dma_semaphore, #tpu.memory_space<semaphore_mem>>)
      %dma_wait3A_69 = arith.constant 0 : i32
      %dma_wait3A_70 = tpu.memref_slice %arg4[%mul3A_2, %dma_wait3A_69] : memref<16384x128xf32, #tpu.memory_space<hbm>> -> memref<512x128xf32, #tpu.memory_space<hbm>>
      %dma_wait3A_71 = arith.constant 0 : i32
      %dma_wait3A_72 = tpu.memref_slice %arg4[%mul3A_2, %dma_wait3A_71] : memref<16384x128xf32, #tpu.memory_space<hbm>> -> memref<512x128xf32, #tpu.memory_space<hbm>>
      tpu.wait_dma2 semaphore(%run_scoped3A : memref<!tpu.dma_semaphore, #tpu.memory_space<semaphore_mem>>) src(%arg6 : memref<512x128xf32, #tpu.memory_space<vmem>>) dst(%dma_wait3A_72 : memref<512x128xf32, #tpu.memory_space<hbm>>)
      tpu.yield
    }) : () -> ()
    return
  }
}

module attributes {stable_mosaic.version = 14 : i64} {
  func.func @_repack_body(%arg0: i32, %arg1: memref<64x32768xf32, #tpu.memory_space<vmem>>, %arg2: memref<8192x128xf32, #tpu.memory_space<vmem>>) attributes {dimension_semantics = [#tpu.dimension_semantics<parallel>], iteration_bounds = array<i64: 31>, scalar_prefetch = 0 : i64, scratch_operands = 0 : i64, tpu.core_type = #tpu.core_type<tc>, window_params = [{transform_indices = @transform_0, window_bounds = array<i64: 64, 32768>}, {transform_indices = @transform_1, window_bounds = array<i64: 8192, 128>}]} {
    %get3A = arith.constant 0 : index
    %get3A_0 = arith.constant 0 : index
    %get3A_1 = vector.load %arg1[%get3A, %get3A_0] : memref<64x32768xf32, #tpu.memory_space<vmem>>, vector<64x32768xf32>
    %convert_element_type3A = arith.truncf %get3A_1 : vector<64x32768xf32> to vector<64x32768xbf16>
    %transpose3A = tpu.transpose %convert_element_type3A, [1, 0] : vector<64x32768xbf16> -> vector<32768x64xbf16>
    %bitcast_convert_type3A = tpu.bitcast %transpose3A : vector<32768x64xbf16> -> vector<32768x64xi16>
    %convert_element_type3A_2 = arith.extui %bitcast_convert_type3A : vector<32768x64xi16> to vector<32768x64xi32>
    %slice3A = vector.extract_strided_slice %convert_element_type3A_2 {offsets = [0, 0], sizes = [16384, 64], strides = [1, 1]} : vector<32768x64xi32> to vector<16384x64xi32>
    %slice3A_3 = vector.extract_strided_slice %convert_element_type3A_2 {offsets = [16384, 0], sizes = [16384, 64], strides = [1, 1]} : vector<32768x64xi32> to vector<16384x64xi32>
    %shift_left3A = arith.constant 16 : i32
    %shift_left3A_4 = vector.broadcast %shift_left3A : i32 to vector<16384x64xi32>
    %shift_left3A_5 = arith.shli %slice3A_3, %shift_left3A_4 : vector<16384x64xi32>
    %or3A = arith.ori %slice3A, %shift_left3A_5 : vector<16384x64xi32>
    %slice3A_6 = vector.extract_strided_slice %or3A {offsets = [0, 0], sizes = [8192, 64], strides = [1, 1]} : vector<16384x64xi32> to vector<8192x64xi32>
    %slice3A_7 = vector.extract_strided_slice %or3A {offsets = [8192, 0], sizes = [8192, 64], strides = [1, 1]} : vector<16384x64xi32> to vector<8192x64xi32>
    %concatenate3A = tpu.concatenate %slice3A_6, %slice3A_7 in 1 : vector<8192x64xi32>, vector<8192x64xi32> -> vector<8192x128xi32>
    %bitcast_convert_type3A_8 = tpu.bitcast %concatenate3A : vector<8192x128xi32> -> vector<8192x128xf32>
    %swap3A = arith.constant 0 : index
    %swap3A_9 = arith.constant 0 : index
    %swap3A_10 = vector.load %arg2[%swap3A, %swap3A_9] : memref<8192x128xf32, #tpu.memory_space<vmem>>, vector<8192x128xf32>
    tpu.vector_store %arg2[%swap3A, %swap3A_9], %bitcast_convert_type3A_8 {strides = array<i32>} : memref<8192x128xf32, #tpu.memory_space<vmem>>, vector<8192x128xf32>,
    return
  }
  func.func @transform_0(%arg0: i32) -> (i32, i32) {
    %c0_i32 = arith.constant 0 : i32
    %c0_i32_0 = arith.constant 0 : i32
    return %c0_i32, %arg0 : i32, i32
  }
  func.func @transform_1(%arg0: i32) -> (i32, i32) {
    %c0_i32 = arith.constant 0 : i32
    %c0_i32_0 = arith.constant 0 : i32
    return %arg0, %c0_i32 : i32, i32
  }
}

module attributes {stable_mosaic.version = 14 : i64} {
  func.func @_mlp_body(%arg0: i32, %arg1: memref<2048x128xf32, #tpu.memory_space<vmem>>, %arg2: memref<2048x1xi32, #tpu.memory_space<vmem>>, %arg3: memref<1x1x2048xi32, #tpu.memory_space<vmem>>, %arg4: memref<1x1x2048xi32, #tpu.memory_space<vmem>>, %arg5: memref<1x1x2048xi32, #tpu.memory_space<vmem>>, %arg6: memref<10x32xf32, #tpu.memory_space<vmem>>, %arg7: memref<12x32xf32, #tpu.memory_space<vmem>>, %arg8: memref<10x32xf32, #tpu.memory_space<vmem>>, %arg9: memref<128x512xf32, #tpu.memory_space<vmem>>, %arg10: memref<160x512xf32, #tpu.memory_space<vmem>>, %arg11: memref<1x512xf32, #tpu.memory_space<vmem>>, %arg12: memref<1x512xf32, #tpu.memory_space<vmem>>, %arg13: memref<1x512xf32, #tpu.memory_space<vmem>>, %arg14: memref<512x512xf32, #tpu.memory_space<vmem>>, %arg15: memref<1x512xf32, #tpu.memory_space<vmem>>, %arg16: memref<2048x512xf32, #tpu.memory_space<vmem>>) attributes {dimension_semantics = [#tpu.dimension_semantics<arbitrary>], iteration_bounds = array<i64: 8>, scalar_prefetch = 0 : i64, scratch_operands = 0 : i64, tpu.core_type = #tpu.core_type<tc>, window_params = [{transform_indices = @transform_0, window_bounds = array<i64: 2048, 128>}, {transform_indices = @transform_1, window_bounds = array<i64: 2048, 1>}, {transform_indices = @transform_2, window_bounds = array<i64: 1, 1, 2048>}, {transform_indices = @transform_3, window_bounds = array<i64: 1, 1, 2048>}, {transform_indices = @transform_4, window_bounds = array<i64: 1, 1, 2048>}, {pipeline_mode = #tpu.pipeline_mode<synchronous>, transform_indices = @transform_5, window_bounds = array<i64: 10, 32>}, {pipeline_mode = #tpu.pipeline_mode<synchronous>, transform_indices = @transform_6, window_bounds = array<i64: 12, 32>}, {pipeline_mode = #tpu.pipeline_mode<synchronous>, transform_indices = @transform_7, window_bounds = array<i64: 10, 32>}, {pipeline_mode = #tpu.pipeline_mode<synchronous>, transform_indices = @transform_8, window_bounds = array<i64: 128, 512>}, {pipeline_mode = #tpu.pipeline_mode<synchronous>, transform_indices = @transform_9, window_bounds = array<i64: 160, 512>}, {pipeline_mode = #tpu.pipeline_mode<synchronous>, transform_indices = @transform_10, window_bounds = array<i64: 1, 512>}, {pipeline_mode = #tpu.pipeline_mode<synchronous>, transform_indices = @transform_11, window_bounds = array<i64: 1, 512>}, {pipeline_mode = #tpu.pipeline_mode<synchronous>, transform_indices = @transform_12, window_bounds = array<i64: 1, 512>}, {pipeline_mode = #tpu.pipeline_mode<synchronous>, transform_indices = @transform_13, window_bounds = array<i64: 512, 512>}, {pipeline_mode = #tpu.pipeline_mode<synchronous>, transform_indices = @transform_14, window_bounds = array<i64: 1, 512>}, {transform_indices = @transform_15, window_bounds = array<i64: 2048, 512>}]} {
    %get3A = arith.constant 0 : index
    %get3A_0 = arith.constant 0 : index
    %get3A_1 = vector.load %arg1[%get3A, %get3A_0] : memref<2048x128xf32, #tpu.memory_space<vmem>>, vector<2048x128xf32>
    %bitcast_convert_type3A = tpu.bitcast %get3A_1 : vector<2048x128xf32> -> vector<2048x128xi32>
    %shift_left3A = arith.constant 16 : i32
    %shift_left3A_2 = vector.broadcast %shift_left3A : i32 to vector<2048x128xi32>
    %shift_left3A_3 = arith.shli %bitcast_convert_type3A, %shift_left3A_2 : vector<2048x128xi32>
    %bitcast_convert_type3A_4 = tpu.bitcast %shift_left3A_3 : vector<2048x128xi32> -> vector<2048x128xf32>
    %and3A = arith.constant -65536 : i32
    %and3A_5 = vector.broadcast %and3A : i32 to vector<2048x128xi32>
    %and3A_6 = arith.andi %bitcast_convert_type3A, %and3A_5 : vector<2048x128xi32>
    %bitcast_convert_type3A_7 = tpu.bitcast %and3A_6 : vector<2048x128xi32> -> vector<2048x128xf32>
    %iota3A = tpu.iota {dimensions = array<i32: 1>} : vector<2048x128xi32>
    %jit3A = arith.constant 64 : i32
    %div3A = vector.broadcast %jit3A : i32 to vector<2048x128xi32>
    %div3A_8 = arith.divsi %iota3A, %div3A : vector<2048x128xi32>
    %sign3A = arith.constant 0 : i32
    %sign3A_9 = vector.broadcast %sign3A : i32 to vector<2048x128xi32>
    %sign3A_10 = arith.cmpi sgt, %iota3A, %sign3A_9 : vector<2048x128xi32>
    %sign3A_11 = arith.extui %sign3A_10 : vector<2048x128xi1> to vector<2048x128xi32>
    %sign3A_12 = arith.constant 0 : i32
    %sign3A_13 = vector.broadcast %sign3A_12 : i32 to vector<2048x128xi32>
    %sign3A_14 = arith.cmpi slt, %iota3A, %sign3A_13 : vector<2048x128xi32>
    %sign3A_15 = arith.extui %sign3A_14 : vector<2048x128xi1> to vector<2048x128xi32>
    %sign3A_16 = arith.subi %sign3A_11, %sign3A_15 : vector<2048x128xi32>
    %sign3A_17 = arith.constant 0 : i32
    %sign3A_18 = arith.cmpi sgt, %jit3A, %sign3A_17 : i32
    %sign3A_19 = arith.extui %sign3A_18 : i1 to i32
    %sign3A_20 = arith.constant 0 : i32
    %sign3A_21 = arith.cmpi slt, %jit3A, %sign3A_20 : i32
    %sign3A_22 = arith.extui %sign3A_21 : i1 to i32
    %sign3A_23 = arith.subi %sign3A_19, %sign3A_22 : i32
    %ne3A = vector.broadcast %sign3A_23 : i32 to vector<2048x128xi32>
    %ne3A_24 = arith.cmpi ne, %sign3A_16, %ne3A : vector<2048x128xi32>
    %rem3A = vector.broadcast %jit3A : i32 to vector<2048x128xi32>
    %rem3A_25 = arith.remsi %iota3A, %rem3A : vector<2048x128xi32>
    %ne3A_26 = arith.constant 0 : i32
    %ne3A_27 = vector.broadcast %ne3A_26 : i32 to vector<2048x128xi32>
    %ne3A_28 = arith.cmpi ne, %rem3A_25, %ne3A_27 : vector<2048x128xi32>
    %and3A_29 = arith.andi %ne3A_24, %ne3A_28 : vector<2048x128xi1>
    %sub3A = arith.constant 1 : i32
    %sub3A_30 = vector.broadcast %sub3A : i32 to vector<2048x128xi32>
    %sub3A_31 = arith.subi %div3A_8, %sub3A_30 : vector<2048x128xi32>
    %select_n3A = arith.select %and3A_29, %sub3A_31, %div3A_8 : vector<2048x128xi1>, vector<2048x128xi32>
    %get3A_32 = arith.constant 0 : index
    %get3A_33 = arith.constant 0 : index
    %get3A_34 = vector.load %arg2[%get3A_32, %get3A_33] : memref<2048x1xi32, #tpu.memory_space<vmem>>, vector<2048x1xi32>
    %mul3A = arith.constant 2 : i32
    %mul3A_35 = vector.broadcast %mul3A : i32 to vector<2048x128xi32>
    %mul3A_36 = arith.muli %mul3A_35, %select_n3A : vector<2048x128xi32>
    %eq3A = vector.broadcast %get3A_34 : vector<2048x1xi32> to vector<2048x128xi32>
    %eq3A_37 = arith.cmpi eq, %eq3A, %mul3A_36 : vector<2048x128xi32>
    %convert_element_type3A = arith.extui %eq3A_37 : vector<2048x128xi1> to vector<2048x128xi32>
    %convert_element_type3A_38 = arith.sitofp %convert_element_type3A : vector<2048x128xi32> to vector<2048x128xf32>
    %get3A_39 = arith.constant 0 : index
    %get3A_40 = arith.constant 0 : index
    %get3A_41 = vector.load %arg2[%get3A_39, %get3A_40] : memref<2048x1xi32, #tpu.memory_space<vmem>>, vector<2048x1xi32>
    %mul3A_42 = arith.constant 2 : i32
    %mul3A_43 = vector.broadcast %mul3A_42 : i32 to vector<2048x128xi32>
    %mul3A_44 = arith.muli %mul3A_43, %select_n3A : vector<2048x128xi32>
    %add3A = arith.constant 1 : i32
    %add3A_45 = vector.broadcast %add3A : i32 to vector<2048x128xi32>
    %add3A_46 = arith.addi %mul3A_44, %add3A_45 : vector<2048x128xi32>
    %eq3A_47 = vector.broadcast %get3A_41 : vector<2048x1xi32> to vector<2048x128xi32>
    %eq3A_48 = arith.cmpi eq, %eq3A_47, %add3A_46 : vector<2048x128xi32>
    %convert_element_type3A_49 = arith.extui %eq3A_48 : vector<2048x128xi1> to vector<2048x128xi32>
    %convert_element_type3A_50 = arith.sitofp %convert_element_type3A_49 : vector<2048x128xi32> to vector<2048x128xf32>
    %mul3A_51 = arith.mulf %bitcast_convert_type3A_4, %convert_element_type3A_38 : vector<2048x128xf32>
    %mul3A_52 = arith.mulf %bitcast_convert_type3A_7, %convert_element_type3A_50 : vector<2048x128xf32>
    %add3A_53 = arith.addf %mul3A_51, %mul3A_52 : vector<2048x128xf32>
    %get3A_54 = arith.constant 0 : index
    %get3A_55 = arith.constant 0 : index
    %get3A_56 = vector.load %arg9[%get3A_54, %get3A_55] : memref<128x512xf32, #tpu.memory_space<vmem>>, vector<128x512xf32>
    %dot_general3A = arith.constant dense<0.000000e+00> : vector<2048x512xf32>
    %dot_general3A_57 = tpu.matmul %add3A_53, %get3A_56, %dot_general3A {dimension_numbers = #tpu.dot_dimension_numbers<[1], [0], [0], [1], [0, 0, 1, 1], [], []>, transpose_lhs_hint = false} : vector<2048x128xf32>, vector<128x512xf32>, vector<2048x512xf32> -> vector<2048x512xf32>
    %get3A_58 = arith.constant 64 : index
    %get3A_59 = arith.constant 0 : index
    %get3A_60 = vector.load %arg10[%get3A_58, %get3A_59] : memref<160x512xf32, #tpu.memory_space<vmem>>, vector<32x512xf32>
    %get3A_61 = arith.constant 0 : index
    %get3A_62 = arith.constant 0 : index
    %get3A_63 = arith.constant 0 : index
    %get3A_64 = vector.load %arg3[%get3A_61, %get3A_62, %get3A_63] : memref<1x1x2048xi32, #tpu.memory_space<vmem>>, vector<1x1x2048xi32>
    %get3A_65 = vector.shape_cast %get3A_64 : vector<1x1x2048xi32> to vector<1x2048xi32>
    %iota3A_66 = tpu.iota {dimensions = array<i32: 0>} : vector<10x2048xi32>
    %eq3A_67 = vector.broadcast %get3A_65 : vector<1x2048xi32> to vector<10x2048xi32>
    %eq3A_68 = arith.cmpi eq, %iota3A_66, %eq3A_67 : vector<10x2048xi32>
    %convert_element_type3A_69 = arith.extui %eq3A_68 : vector<10x2048xi1> to vector<10x2048xi32>
    %convert_element_type3A_70 = arith.sitofp %convert_element_type3A_69 : vector<10x2048xi32> to vector<10x2048xf32>
    %get3A_71 = arith.constant 0 : index
    %get3A_72 = arith.constant 0 : index
    %get3A_73 = vector.load %arg6[%get3A_71, %get3A_72] : memref<10x32xf32, #tpu.memory_space<vmem>>, vector<10x32xf32>
    %dot_general3A_74 = arith.constant dense<0.000000e+00> : vector<10x512xf32>
    %dot_general3A_75 = tpu.matmul %get3A_73, %get3A_60, %dot_general3A_74 {dimension_numbers = #tpu.dot_dimension_numbers<[1], [0], [0], [1], [0, 0, 1, 1], [], []>, transpose_lhs_hint = false} : vector<10x32xf32>, vector<32x512xf32>, vector<10x512xf32> -> vector<10x512xf32>
    %dot_general3A_76 = arith.constant dense<0.000000e+00> : vector<2048x512xf32>
    %dot_general3A_77 = tpu.matmul %convert_element_type3A_70, %dot_general3A_75, %dot_general3A_76 {dimension_numbers = #tpu.dot_dimension_numbers<[0], [0], [1], [1], [0, 1, 1, 1], [], []>, transpose_lhs_hint = false} : vector<10x2048xf32>, vector<10x512xf32>, vector<2048x512xf32> -> vector<2048x512xf32>
    %add3A_78 = arith.addf %dot_general3A_57, %dot_general3A_77 : vector<2048x512xf32>
    %get3A_79 = arith.constant 96 : index
    %get3A_80 = arith.constant 0 : index
    %get3A_81 = vector.load %arg10[%get3A_79, %get3A_80] : memref<160x512xf32, #tpu.memory_space<vmem>>, vector<32x512xf32>
    %get3A_82 = arith.constant 0 : index
    %get3A_83 = arith.constant 0 : index
    %get3A_84 = arith.constant 0 : index
    %get3A_85 = vector.load %arg4[%get3A_82, %get3A_83, %get3A_84] : memref<1x1x2048xi32, #tpu.memory_space<vmem>>, vector<1x1x2048xi32>
    %get3A_86 = vector.shape_cast %get3A_85 : vector<1x1x2048xi32> to vector<1x2048xi32>
    %iota3A_87 = tpu.iota {dimensions = array<i32: 0>} : vector<12x2048xi32>
    %eq3A_88 = vector.broadcast %get3A_86 : vector<1x2048xi32> to vector<12x2048xi32>
    %eq3A_89 = arith.cmpi eq, %iota3A_87, %eq3A_88 : vector<12x2048xi32>
    %convert_element_type3A_90 = arith.extui %eq3A_89 : vector<12x2048xi1> to vector<12x2048xi32>
    %convert_element_type3A_91 = arith.sitofp %convert_element_type3A_90 : vector<12x2048xi32> to vector<12x2048xf32>
    %get3A_92 = arith.constant 0 : index
    %get3A_93 = arith.constant 0 : index
    %get3A_94 = vector.load %arg7[%get3A_92, %get3A_93] : memref<12x32xf32, #tpu.memory_space<vmem>>, vector<12x32xf32>
    %dot_general3A_95 = arith.constant dense<0.000000e+00> : vector<12x512xf32>
    %dot_general3A_96 = tpu.matmul %get3A_94, %get3A_81, %dot_general3A_95 {dimension_numbers = #tpu.dot_dimension_numbers<[1], [0], [0], [1], [0, 0, 1, 1], [], []>, transpose_lhs_hint = false} : vector<12x32xf32>, vector<32x512xf32>, vector<12x512xf32> -> vector<12x512xf32>
    %dot_general3A_97 = arith.constant dense<0.000000e+00> : vector<2048x512xf32>
    %dot_general3A_98 = tpu.matmul %convert_element_type3A_91, %dot_general3A_96, %dot_general3A_97 {dimension_numbers = #tpu.dot_dimension_numbers<[0], [0], [1], [1], [0, 1, 1, 1], [], []>, transpose_lhs_hint = false} : vector<12x2048xf32>, vector<12x512xf32>, vector<2048x512xf32> -> vector<2048x512xf32>
    %add3A_99 = arith.addf %add3A_78, %dot_general3A_98 : vector<2048x512xf32>
    %get3A_100 = arith.constant 128 : index
    %get3A_101 = arith.constant 0 : index
    %get3A_102 = vector.load %arg10[%get3A_100, %get3A_101] : memref<160x512xf32, #tpu.memory_space<vmem>>, vector<32x512xf32>
    %get3A_103 = arith.constant 0 : index
    %get3A_104 = arith.constant 0 : index
    %get3A_105 = arith.constant 0 : index
    %get3A_106 = vector.load %arg5[%get3A_103, %get3A_104, %get3A_105] : memref<1x1x2048xi32, #tpu.memory_space<vmem>>, vector<1x1x2048xi32>
    %get3A_107 = vector.shape_cast %get3A_106 : vector<1x1x2048xi32> to vector<1x2048xi32>
    %iota3A_108 = tpu.iota {dimensions = array<i32: 0>} : vector<10x2048xi32>
    %eq3A_109 = vector.broadcast %get3A_107 : vector<1x2048xi32> to vector<10x2048xi32>
    %eq3A_110 = arith.cmpi eq, %iota3A_108, %eq3A_109 : vector<10x2048xi32>
    %convert_element_type3A_111 = arith.extui %eq3A_110 : vector<10x2048xi1> to vector<10x2048xi32>
    %convert_element_type3A_112 = arith.sitofp %convert_element_type3A_111 : vector<10x2048xi32> to vector<10x2048xf32>
    %get3A_113 = arith.constant 0 : index
    %get3A_114 = arith.constant 0 : index
    %get3A_115 = vector.load %arg8[%get3A_113, %get3A_114] : memref<10x32xf32, #tpu.memory_space<vmem>>, vector<10x32xf32>
    %dot_general3A_116 = arith.constant dense<0.000000e+00> : vector<10x512xf32>
    %dot_general3A_117 = tpu.matmul %get3A_115, %get3A_102, %dot_general3A_116 {dimension_numbers = #tpu.dot_dimension_numbers<[1], [0], [0], [1], [0, 0, 1, 1], [], []>, transpose_lhs_hint = false} : vector<10x32xf32>, vector<32x512xf32>, vector<10x512xf32> -> vector<10x512xf32>
    %dot_general3A_118 = arith.constant dense<0.000000e+00> : vector<2048x512xf32>
    %dot_general3A_119 = tpu.matmul %convert_element_type3A_112, %dot_general3A_117, %dot_general3A_118 {dimension_numbers = #tpu.dot_dimension_numbers<[0], [0], [1], [1], [0, 1, 1, 1], [], []>, transpose_lhs_hint = false} : vector<10x2048xf32>, vector<10x512xf32>, vector<2048x512xf32> -> vector<2048x512xf32>
    %add3A_120 = arith.addf %add3A_99, %dot_general3A_119 : vector<2048x512xf32>
    %get3A_121 = arith.constant 0 : index
    %get3A_122 = arith.constant 0 : index
    %get3A_123 = vector.load %arg11[%get3A_121, %get3A_122] : memref<1x512xf32, #tpu.memory_space<vmem>>, vector<1x512xf32>
    %add3A_124 = vector.broadcast %get3A_123 : vector<1x512xf32> to vector<2048x512xf32>
    %add3A_125 = arith.addf %add3A_120, %add3A_124 : vector<2048x512xf32>
    %reduce_sum3A = arith.constant dense<0.000000e+00> : vector<2048xf32>
    %reduce_sum3A_126 = vector.multi_reduction <add>, %add3A_125, %reduce_sum3A [1] : vector<2048x512xf32> to vector<2048xf32>
    %broadcast_in_dim3A = vector.shape_cast %reduce_sum3A_126 : vector<2048xf32> to vector<2048x1xf32>
    %div3A_127 = arith.constant 5.120000e+02 : f32
    %div3A_128 = vector.broadcast %div3A_127 : f32 to vector<2048x1xf32>
    %div3A_129 = arith.divf %broadcast_in_dim3A, %div3A_128 : vector<2048x1xf32>
    %sub3A_130 = vector.broadcast %div3A_129 : vector<2048x1xf32> to vector<2048x512xf32>
    %sub3A_131 = arith.subf %add3A_125, %sub3A_130 : vector<2048x512xf32>
    %mul3A_132 = arith.mulf %sub3A_131, %sub3A_131 : vector<2048x512xf32>
    %reduce_sum3A_133 = arith.constant dense<0.000000e+00> : vector<2048xf32>
    %reduce_sum3A_134 = vector.multi_reduction <add>, %mul3A_132, %reduce_sum3A_133 [1] : vector<2048x512xf32> to vector<2048xf32>
    %broadcast_in_dim3A_135 = vector.shape_cast %reduce_sum3A_134 : vector<2048xf32> to vector<2048x1xf32>
    %div3A_136 = arith.constant 5.120000e+02 : f32
    %div3A_137 = vector.broadcast %div3A_136 : f32 to vector<2048x1xf32>
    %div3A_138 = arith.divf %broadcast_in_dim3A_135, %div3A_137 : vector<2048x1xf32>
    %add3A_139 = arith.constant 9.99999974E-6 : f32
    %add3A_140 = vector.broadcast %add3A_139 : f32 to vector<2048x1xf32>
    %add3A_141 = arith.addf %div3A_138, %add3A_140 : vector<2048x1xf32>
    %rsqrt3A = math.rsqrt %add3A_141 : vector<2048x1xf32>
    %mul3A_142 = vector.broadcast %rsqrt3A : vector<2048x1xf32> to vector<2048x512xf32>
    %mul3A_143 = arith.mulf %sub3A_131, %mul3A_142 : vector<2048x512xf32>
    %get3A_144 = arith.constant 0 : index
    %get3A_145 = arith.constant 0 : index
    %get3A_146 = vector.load %arg12[%get3A_144, %get3A_145] : memref<1x512xf32, #tpu.memory_space<vmem>>, vector<1x512xf32>
    %mul3A_147 = vector.broadcast %get3A_146 : vector<1x512xf32> to vector<2048x512xf32>
    %mul3A_148 = arith.mulf %mul3A_143, %mul3A_147 : vector<2048x512xf32>
    %get3A_149 = arith.constant 0 : index
    %get3A_150 = arith.constant 0 : index
    %get3A_151 = vector.load %arg13[%get3A_149, %get3A_150] : memref<1x512xf32, #tpu.memory_space<vmem>>, vector<1x512xf32>
    %add3A_152 = vector.broadcast %get3A_151 : vector<1x512xf32> to vector<2048x512xf32>
    %add3A_153 = arith.addf %mul3A_148, %add3A_152 : vector<2048x512xf32>
    %max3A = arith.constant 0.000000e+00 : f32
    %max3A_154 = vector.broadcast %max3A : f32 to vector<2048x512xf32>
    %max3A_155 = arith.maximumf %add3A_153, %max3A_154 : vector<2048x512xf32>
    %get3A_156 = arith.constant 0 : index
    %get3A_157 = arith.constant 0 : index
    %get3A_158 = vector.load %arg14[%get3A_156, %get3A_157] : memref<512x512xf32, #tpu.memory_space<vmem>>, vector<512x512xf32>
    %dot_general3A_159 = arith.constant dense<0.000000e+00> : vector<2048x512xf32>
    %dot_general3A_160 = tpu.matmul %max3A_155, %get3A_158, %dot_general3A_159 {dimension_numbers = #tpu.dot_dimension_numbers<[1], [0], [0], [1], [0, 0, 1, 1], [], []>, transpose_lhs_hint = false} : vector<2048x512xf32>, vector<512x512xf32>, vector<2048x512xf32> -> vector<2048x512xf32>
    %get3A_161 = arith.constant 0 : index
    %get3A_162 = arith.constant 0 : index
    %get3A_163 = vector.load %arg15[%get3A_161, %get3A_162] : memref<1x512xf32, #tpu.memory_space<vmem>>, vector<1x512xf32>
    %add3A_164 = vector.broadcast %get3A_163 : vector<1x512xf32> to vector<2048x512xf32>
    %add3A_165 = arith.addf %dot_general3A_160, %add3A_164 : vector<2048x512xf32>
    %swap3A = arith.constant 0 : index
    %swap3A_166 = arith.constant 0 : index
    %swap3A_167 = vector.load %arg16[%swap3A, %swap3A_166] : memref<2048x512xf32, #tpu.memory_space<vmem>>, vector<2048x512xf32>
    tpu.vector_store %arg16[%swap3A, %swap3A_166], %add3A_165 {strides = array<i32>} : memref<2048x512xf32, #tpu.memory_space<vmem>>, vector<2048x512xf32>,
    return
  }
  func.func @transform_0(%arg0: i32) -> (i32, i32) {
    %c0_i32 = arith.constant 0 : i32
    %c0_i32_0 = arith.constant 0 : i32
    return %arg0, %c0_i32 : i32, i32
  }
  func.func @transform_1(%arg0: i32) -> (i32, i32) {
    %c0_i32 = arith.constant 0 : i32
    %c0_i32_0 = arith.constant 0 : i32
    return %arg0, %c0_i32 : i32, i32
  }
  func.func @transform_2(%arg0: i32) -> (i32, i32, i32) {
    %c0_i32 = arith.constant 0 : i32
    %c0_i32_0 = arith.constant 0 : i32
    %c0_i32_1 = arith.constant 0 : i32
    return %arg0, %c0_i32, %c0_i32_0 : i32, i32, i32
  }
  func.func @transform_3(%arg0: i32) -> (i32, i32, i32) {
    %c0_i32 = arith.constant 0 : i32
    %c0_i32_0 = arith.constant 0 : i32
    %c0_i32_1 = arith.constant 0 : i32
    return %arg0, %c0_i32, %c0_i32_0 : i32, i32, i32
  }
  func.func @transform_4(%arg0: i32) -> (i32, i32, i32) {
    %c0_i32 = arith.constant 0 : i32
    %c0_i32_0 = arith.constant 0 : i32
    %c0_i32_1 = arith.constant 0 : i32
    return %arg0, %c0_i32, %c0_i32_0 : i32, i32, i32
  }
  func.func @transform_5(%arg0: i32) -> (i32, i32) {
    %c0_i32 = arith.constant 0 : i32
    %c0_i32_0 = arith.constant 0 : i32
    %c0_i32_1 = arith.constant 0 : i32
    return %c0_i32, %c0_i32_0 : i32, i32
  }
  func.func @transform_6(%arg0: i32) -> (i32, i32) {
    %c0_i32 = arith.constant 0 : i32
    %c0_i32_0 = arith.constant 0 : i32
    %c0_i32_1 = arith.constant 0 : i32
    return %c0_i32, %c0_i32_0 : i32, i32
  }
  func.func @transform_7(%arg0: i32) -> (i32, i32) {
    %c0_i32 = arith.constant 0 : i32
    %c0_i32_0 = arith.constant 0 : i32
    %c0_i32_1 = arith.constant 0 : i32
    return %c0_i32, %c0_i32_0 : i32, i32
  }
  func.func @transform_8(%arg0: i32) -> (i32, i32) {
    %c0_i32 = arith.constant 0 : i32
    %c0_i32_0 = arith.constant 0 : i32
    %c0_i32_1 = arith.constant 0 : i32
    return %c0_i32, %c0_i32_0 : i32, i32
  }
  func.func @transform_9(%arg0: i32) -> (i32, i32) {
    %c0_i32 = arith.constant 0 : i32
    %c0_i32_0 = arith.constant 0 : i32
    %c0_i32_1 = arith.constant 0 : i32
    return %c0_i32, %c0_i32_0 : i32, i32
  }
  func.func @transform_10(%arg0: i32) -> (i32, i32) {
    %c0_i32 = arith.constant 0 : i32
    %c0_i32_0 = arith.constant 0 : i32
    %c0_i32_1 = arith.constant 0 : i32
    return %c0_i32, %c0_i32_0 : i32, i32
  }
  func.func @transform_11(%arg0: i32) -> (i32, i32) {
    %c0_i32 = arith.constant 0 : i32
    %c0_i32_0 = arith.constant 0 : i32
    %c0_i32_1 = arith.constant 0 : i32
    return %c0_i32, %c0_i32_0 : i32, i32
  }
  func.func @transform_12(%arg0: i32) -> (i32, i32) {
    %c0_i32 = arith.constant 0 : i32
    %c0_i32_0 = arith.constant 0 : i32
    %c0_i32_1 = arith.constant 0 : i32
    return %c0_i32, %c0_i32_0 : i32, i32
  }
  func.func @transform_13(%arg0: i32) -> (i32, i32) {
    %c0_i32 = arith.constant 0 : i32
    %c0_i32_0 = arith.constant 0 : i32
    %c0_i32_1 = arith.constant 0 : i32
    return %c0_i32, %c0_i32_0 : i32, i32
  }
  func.func @transform_14(%arg0: i32) -> (i32, i32) {
    %c0_i32 = arith.constant 0 : i32
    %c0_i32_0 = arith.constant 0 : i32
    %c0_i32_1 = arith.constant 0 : i32
    return %c0_i32, %c0_i32_0 : i32, i32
  }
  func.func @transform_15(%arg0: i32) -> (i32, i32) {
    %c0_i32 = arith.constant 0 : i32
    %c0_i32_0 = arith.constant 0 : i32
    return %arg0, %c0_i32 : i32, i32
  }
}

</mosaic_0001>

<sc_bundles>
// kernel: kernel.5.cloned.1.call-start
scs
__scs_entry_jumppad:
0x0: {  	(pc) =	sbr.rel $0x88, $3  }
0x1: {  	(tag) =	ssettag $0x0;
	lr =	simm.s32 $0x1  }
0x2: {  	[smem:$0x3F93] =	sst lr;
	_ =	strace $0xD0000000  }
0x3: {  	_ = 	snop  }
0x4: {  	_ = 	snop  }
0x5: {  	_ = 	snop  }
0x6: {  	_ = 	snop  }
0x7: {  	_ = 	snop  }
__scs_overlays_trampoline_lowered:
0x8: {  	[smem:$0x3FA2] =	sst s0  }
0x9: {  	[smem:$0x3FA3] =	sst s1  }
0xa: {  	[smem:$0x3FA4] =	sst s2  }
0xb: {  	[smem:$0x3FA5] =	sst s3  }
0xc: {  	[smem:$0x3FA6] =	sst s4  }
0xd: {  	[smem:$0x3FA7] =	sst s5  }
0xe: {  	[smem:$0x3FA8] =	sst s6  }
0xf: {  	[smem:$0x3FA9] =	sst s7  }
0x10: {  	[smem:$0x3FAA] =	sst s8  }
0x11: {  	[smem:$0x3FAB] =	sst s9;
	s0 =	simm.s32 @!p0 $0x0  }
0x12: {  	s1 =	sld [smem:$0x3F91];
	s0 =	simm.s32 @p0 $0x1  }
0x13: {  	[smem:$0x3FAC] =	sst s0;
	s0 =	simm.s32 @!p1 $0x0  }
0x14: {  	s2 =	sld [smem:$0x3F90];
	s0 =	simm.s32 @p1 $0x1  }
0x15: {  	[smem:$0x3FAD] =	sst s0;
	s0 =	simm.s32 @!p2 $0x0  }
0x16: {  	s3 =	sld [smem:$0x3FDB];
	s0 =	simm.s32 @p2 $0x1  }
0x17: {  	s4 =	simm.s32 $0x1BF5;
	[smem:$0x3FAF] =	sst s0  }
0x18: {  	s0 =	sld [smem:$0x3F92];
	_ =	swait.ge [sflag:s4], $0x0  }
0x19: {  	s7 =	sld [smem:$0x3F93]  }
0x1a: {  	s8 =	sadd.s32 $0xFFFFE003, lr  }
0x1b: {  	s9 =	sadd.s32 $0xFFFFFEF7, lr;
	s5 =	simm.s32 $0xFFFFFFFF;
	p2 =	slt.u32 s8, $0xFFFFF086  }
0x1c: {  	p1 =	slt.u32 s9, $0xF7A;
	s5 =	simm.s32 @!p2 $0x0  }
0x1d: {  	s5 =	simm.s32 @p1 $0x1;
	p0 =	seq.s32 s7, s2  }
0x1e: {  	s7 =	smul.u32 @!p0 $0xF7A, s2;
	p2 =	seq.s32 @!p0 s5, $0x0  }
0x1f: {  	s9 =	smul.u32 $0xF7A, s1;
	s8 =	simm.s32 @!p0 $0x1BF5;
	p2 =	por !p2, p0  }
0x20: {  	[sflag:s8] =	ssyncset.s32 @!p0 $0xFFFFF086;
	s6 =	sadd.s32 @!p0 s3, s7;
	s7 =	simm.s32 @!p0 $0x108  }
0x21: {  	s3 =	sadd.s32 s3, s9;
	s6 =	sadd.s32 @!p0 $0x88, s6;
	s7 =	simm.s32 @p2 $0x1082  }
0x22: {  	[simem:s7], [sflag:s8] =	dma.local @!p0 [hbm:s6], $0xF7A  }
0x23: {  	s9 =	sor.u32 $0xD0000000, s2;
	s6 =	simm.s32 $0x108;
	_ =	swait.ge @!p0 [sflag:s8], $0x0  }
0x24: {  	s3 =	sadd.s32 $0x88, s3;
	s6 =	simm.s32 @!p1 $0x1082;
	[sflag:s4] =	ssyncset.s32 $0xFFFFF086  }
0x25: {  	[simem:s6], [sflag:s4] =	dma.local [hbm:s3], $0xF7A  }
0x26: {  	[smem:$0x3F93] =	sst s1;
	(tag) =	ssettag s2;
	_ =	strace s9  }
0x27: {  	s1 =	sld [smem:$0x3FA3]  }
0x28: {  	s2 =	sld [smem:$0x3FA4]  }
0x29: {  	s4 =	sld [smem:$0x3FA6]  }
0x2a: {  	p0 =	seq.s32 s5, $0x0;
	s5 =	sld [smem:$0x3FA7]  }
0x2b: {  	s6 =	sld [smem:$0x3FA8]  }
0x2c: {  	s7 =	sld [smem:$0x3FA9]  }
0x2d: {  	s3 =	simm.s32 $0x108;
	s8 =	sld [smem:$0x3FAA]  }
0x2e: {  	s3 =	simm.s32 @!p0 $0x1082;
	s9 =	sld [smem:$0x3FAB]  }
0x2f: {  	lr =	sadd.s32 s0, s3;
	s0 =	sld [smem:$0x3FA2]  }
0x30: {  	s3 =	sld [smem:$0x3FA5]  }
0x31: {  	[smem:$0x3FAE] =	sst s10  }
0x32: {  	s10 =	sld [smem:$0x3FAC];
	_ =	sdelay $0x3  }
0x33: {  	p0 =	seq.s32 s10, $0x1;
	s10 =	sld [smem:$0x3FAE];
	_ =	sdelay $0x3  }
0x34: {  	[smem:$0x3FAE] =	sst s10  }
0x35: {  	s10 =	sld [smem:$0x3FAD];
	_ =	sdelay $0x3  }
0x36: {  	p1 =	seq.s32 s10, $0x1;
	s10 =	sld [smem:$0x3FAE];
	_ =	sdelay $0x3  }
0x37: {  	[smem:$0x3FAE] =	sst s10  }
0x38: {  	s10 =	sld [smem:$0x3FAF]  }
0x39: {  	_ = 	snop;
	(pc) =	sbr.ind lr, $3  }
0x3a: {  	_ = 	snop  }
0x3b: {  	_ = 	snop  }
0x3c: {  	p2 =	seq.s32 s10, $0x1;
	s10 =	sld [smem:$0x3FAE]  }
0x3d: {  	_ =	shalt  }
0x3e: {  	_ =	shalt  }
0x3f: {  	_ =	shalt  }
0x40: {  	_ =	shalt  }
0x41: {  	_ =	shalt  }
0x42: {  	_ =	shalt  }
0x43: {  	_ =	shalt  }
0x44: {  	_ =	shalt  }
0x45: {  	_ =	shalt  }
0x46: {  	_ =	shalt  }
0x47: {  	_ =	shalt  }
0x48: {  	_ =	shalt  }
0x49: {  	_ =	shalt  }
0x4a: {  	_ =	shalt  }
0x4b: {  	_ =	shalt  }
0x4c: {  	_ =	shalt  }
0x4d: {  	_ =	shalt  }
0x4e: {  	_ =	shalt  }
0x4f: {  	_ =	shalt  }
0x50: {  	_ =	shalt  }
0x51: {  	_ =	shalt  }
0x52: {  	_ =	shalt  }
0x53: {  	_ =	shalt  }
0x54: {  	_ =	shalt  }
0x55: {  	_ =	shalt  }
0x56: {  	_ =	shalt  }
0x57: {  	_ =	shalt  }
0x58: {  	_ =	shalt  }
0x59: {  	_ =	shalt  }
0x5a: {  	_ =	shalt  }
0x5b: {  	_ =	shalt  }
0x5c: {  	_ =	shalt  }
0x5d: {  	_ =	shalt  }
0x5e: {  	_ =	shalt  }
0x5f: {  	_ =	shalt  }
0x60: {  	_ =	shalt  }
0x61: {  	_ =	shalt  }
0x62: {  	_ =	shalt  }
0x63: {  	_ =	shalt  }
0x64: {  	_ =	shalt  }
0x65: {  	_ =	shalt  }
0x66: {  	_ =	shalt  }
0x67: {  	_ =	shalt  }
0x68: {  	_ =	shalt  }
0x69: {  	_ =	shalt  }
0x6a: {  	_ =	shalt  }
0x6b: {  	_ =	shalt  }
0x6c: {  	_ =	shalt  }
0x6d: {  	_ =	shalt  }
0x6e: {  	_ =	shalt  }
0x6f: {  	_ =	shalt  }
0x70: {  	_ =	shalt  }
0x71: {  	_ =	shalt  }
0x72: {  	_ =	shalt  }
0x73: {  	_ =	shalt  }
0x74: {  	_ =	shalt  }
0x75: {  	_ =	shalt  }
0x76: {  	_ =	shalt  }
0x77: {  	_ =	shalt  }
0x78: {  	_ =	shalt  }
0x79: {  	_ =	shalt  }
0x7a: {  	_ =	shalt  }
0x7b: {  	_ =	shalt  }
0x7c: {  	_ =	shalt  }
0x7d: {  	_ =	shalt  }
0x7e: {  	_ =	shalt  }
0x7f: {  	_ =	shalt  }
0x80: {  	_ =	shalt  }
0x81: {  	_ =	shalt  }
0x82: {  	_ =	shalt  }
0x83: {  	_ =	shalt  }
0x84: {  	_ =	shalt  }
0x85: {  	_ =	shalt  }
0x86: {  	_ =	shalt  }
0x87: {  	_ =	shalt  }
.Lfunc_end0:
.L_simem_size_0:
called_computation.1_lowered:
.L_overlay_start_0:
0x88: {  	s2 =	sld [smem:$0x3FD9]  }
0x89: {  	s3 =	sld [smem:$0x3FFE];
	_ =	sdelay $0x1  }
0x8a: {  	s1 =	srdreg.scid  }
0x8b: {  	s0 =	sand.u32 $0x1, s1  }
0x8c: {  	s17 =	sshll.u32 s0, $0xA;
	s2 =	sadd.s32 s3, s2  }
0x8d: {  	s2 =	sadd.s32 s2, s17  }
0x8e: {  	[smem:$0x3FBA] =	sst s2  }
0x8f: {  	_ = 	snop  }
0x90: {  	s2 =	sld [smem:$0x3FD0];
	(tm) =	ssettm $0x1  }
0x91: {  	s18 =	sld [smem:$0x3FFB];
	_ =	sdelay $0x3  }
0x92: {  	_ =	strace s18  }
0x93: {  	s3 =	sld [smem:$0x3FFC];
	_ =	sdelay $0x3  }
0x94: {  	_ =	strace s3  }
0x95: {  	s3 =	sld [smem:$0x3FFD];
	_ =	sdelay $0x3  }
0x96: {  	_ =	strace s3  }
0x97: {  	_ =	strace $0x8FFFFFFF  }
0x98: {  	s19 =	sld [smem:$0x3FDB];
	_ =	sdelay $0x1  }
0x99: {  	s4 =	simm.s32 $_scs_section_size  }
0x9a: {  	s5 =	simm.s32 $_size__tile_overlayer_lowered;
	s6 =	simm.s32 $_tile_overlayer_lowered  }
0x9b: {  	s22 =	simm.s32 $0x1BFF;
	s21 =	sshll.u32 s6, $0x1;
	s3 =	sadd.s32 s4, s19  }
0x9c: {  	s7 =	simm.s32 $0x0;
	s20 =	sshll.u32 s5, $0x1;
	s5 =	sadd.s32 s21, s3  }
0x9d: {  	[timem:s7], [sflag:s22] =	dma.local [hbm:s5], s20  }
0x9e: {  	_ =	swait.ge [sflag:s22], s20  }
0x9f: {  	s4 =	ssub.s32 $0x0, s20;
	[sflag:s22] =	ssyncset.done $0x0  }
0xa0: {  	[sflag:s22] =	ssyncadd.s32 s4;
	_ =	sdelay $0x1  }
0xa1: {  	s23 =	simm.s32 $0x1B8B  }
0xa2: {  	_ =	swait.ge [sflag:s23], $0x1  }
0xa3: {  	[sflag:s23] =	ssyncset.done $0x0  }
0xa4: {  	s25 =	simm.s32 $0x1B8E;
	s24 =	sld [smem:$0x3FFE];
	[sflag:s23] =	ssyncadd.s32 $0xFFFFFFFF  }
0xa5: {  	s26 =	simm.s32 $execute0_lowered;
	[smem:$0x3FD2] =	sst s25  }
0xa6: {  	s5 =	sshll.u32 s26, $0x1;
	_ =	strace $0x80000046;
	[dreg:$0x1] =	wrdreg $0xFFFFFFFF  }
0xa7: {  	s28 =	simm.s32 $_size_execute0_lowered;
	s3 =	sadd.s32 s3, s5;
	[dreg:$0x0] =	wrdreg $0x0  }
0xa8: {  	s5 =	sshll.u32 s28, $0x1;
	[dreg:$0x2] =	wrdreg s3  }
0xa9: {  	[dreg:$0x3] =	wrdreg s5  }
0xaa: {  	[dreg:$0x4] =	wrdreg $0xC0  }
0xab: {  	_ =	task [dreg:s7], $0x5FFFF  }
0xac: {  	[dreg:$0x1] =	wrdreg $0xFFFFFFFF  }
0xad: {  	[dreg:$0x0] =	wrdreg $0x60  }
0xae: {  	[dreg:$0x2] =	wrdreg s24  }
0xaf: {  	[dreg:$0x3] =	wrdreg s2  }
0xb0: {  	[dreg:$0x4] =	wrdreg $0x9  }
0xb1: {  	_ =	task.clear_ibuf [dreg:s7], $0x5FFFF;
	_ =	strace $0x90000046  }
0xb2: {  	s29 =	simm.s32 $0x9;
	_ =	strace $0x80000048  }
0xb3: {  	_ =	swait.ge [sflag:s29], $0x1  }
0xb4: {  	[sflag:s29] =	ssyncadd.s32 $0xFFFFFFFF  }
0xb5: {  	_ =	strace $0x90000048  }
0xb6: {  	_ =	sfence  }
0xb7: {  	s30 =	sld [smem:$0x0];
	_ =	sdelay $0x2  }
0xb8: {  	s31 =	sshll.u32 s1, $0xD;
	s1 =	sshrl.u32 s1, $0x2  }
0xb9: {  	s3 =	sand.u32 $0x4000, s31;
	s1 =	sadd.s32 s1, s30  }
0xba: {  	s0 =	sor.u32 s3, s0;
	s1 =	sshll.u32 s1, $0x11  }
0xbb: {  	s0 =	sor.u32 s1, s0  }
0xbc: {  	s0 =	sadd.s32 $0x8F2B, s0  }
0xbd: {  	[sflag:s0] =	ssyncadd.remote.s32 $0x1  }
0xbe: {  	_ =	sfence.sel $0xFFFF  }
0xbf: {  	[dreg:$0x0] =	wrdreg $0xFFFFFFFF;
	(pc) =	sbr.abs _section_cstart, $3  }
0xc0: {  	[dreg:$0x1] =	wrdreg $0xFFFFFFFF  }
0xc1: {  	_ =	task.clear_ibuf [dreg:s7], $0x2FFFF;
	_ =	strace $0x9FFFFFFF  }
0xc2: {  	(tm) =	ssettm $0x7FFFFFFF  }
0xc3: {  	_ =	shalt  }
tec
execute0_lowered:
.L_overlay_start_1:
0x0: {  	(tag) =	ssettag $0x1  }
0x1: {  	s1 =	srdreg.scid  }
0x2: {  	s0 =	stileid.u32;
	s14 =	sand.u32 $0x1, s1  }
0x3: {  	s5 =	rddreg [dreg:$0x0];
	s29 =	sshll.u32 s0, $0xA;
	s2 =	sshll.u32 s14, $0x9  }
0x4: {  	s15 =	rddreg [dreg:$0x1];
	s16 =	sor.u32 s2, s29  }
0x5: {  	s1 =	rddreg [dreg:$0x2];
	s2 =	simm.s32 $0x0;
	s3 =	sshrl.u32 s16, $0x3  }
0x6: {  	[smem:$0x7FF] =	sst s2;
	s3 =	sadd.s32 s3, s5  }
0x7: {  	_ =	strace $0x80000047;
	s4 =	sadd.s32 $0x3200, s3;
	s3 =	simm.s32 $0x2  }
0x8: {  	[tilespmem:s2], [sflag:$0x2] =	stream.linear.gather [hbm4b:s4+s2], $0x200, $0x38;
	[tilespmem:$0x10200] =	vst v63  }
0x9: {  	_ =	swait.ge [sflag:s3], $0x200  }
0xa: {  	s6 =	simm.s32 $0x80;
	[sflag:s3] =	ssyncset.done $0x0  }
0xb: {  	s7 =	simm.s32 $0x200;
	s5 =	sadd.s32 $0x3A00, s5;
	[sflag:s3] =	ssyncadd.s32 $0xFFFFFE00  }
0xc: {  	[tilespmem:s7], [sflag:$0x1] =	stream.indirect.gather [hbm4b:s5+s6], $0x80, s2, s6, $0xb8;
	[tilespmem:$0x10200] =	vst v63  }
0xd: {  	s8 =	simm.s32 $0x4200  }
0xe: {  	[tilespmem:s8], [sflag:$0x1] =	stream.indirect.gather [hbm4b:s5+s6], $0x80, s6, s6, $0xb8;
	[tilespmem:$0x10200] =	vst v63  }
0xf: {  	s9 =	simm.s32 $0x100;
	s10 =	simm.s32 $0x8200  }
0x10: {  	[tilespmem:s10], [sflag:$0x1] =	stream.indirect.gather [hbm4b:s5+s6], $0x80, s9, s6, $0xb8;
	[tilespmem:$0x10200] =	vst v63  }
0x11: {  	s11 =	simm.s32 $0x180;
	s12 =	simm.s32 $0xC200;
	s13 =	simm.s32 $0x1  }
0x12: {  	[tilespmem:s12], [sflag:$0x1] =	stream.indirect.gather [hbm4b:s5+s6], $0x80, s11, s6, $0xb8;
	[tilespmem:$0x10200] =	vst v63  }
0x13: {  	_ =	swait.ge [sflag:s13], $0x4000  }
0x14: {  	[sflag:s13] =	ssyncset.done $0x0  }
0x15: {  	[sflag:s13] =	ssyncadd.s32 $0xFFFFC000  }
0x16: {  	_ =	swait.ge [sflag:s13], $0x4000  }
0x17: {  	[sflag:s13] =	ssyncset.done $0x0  }
0x18: {  	s14 =	ssub.s32 $0x2, s14;
	[sflag:s13] =	ssyncadd.s32 $0xFFFFC000  }
0x19: {  	s17 =	sshrl.u32 s14, $0x1;
	_ =	swait.ge [sflag:s13], $0x4000  }
0x1a: {  	s17 =	ssub.s32 s14, s17;
	[sflag:s13] =	ssyncset.done $0x0  }
0x1b: {  	s31 =	smax.u32 s17, $0x1;
	[sflag:s13] =	ssyncadd.s32 $0xFFFFC000  }
0x1c: {  	p0 =	sne.s32 s31, $0x1;
	_ =	swait.ge [sflag:s13], $0x4000  }
.Ltmp0:
0x1d: {  	s30 =	sshll.u32 s16, $0x4;
	[sflag:s13] =	ssyncset.done $0x0;
	(pc) =	sbr.rel @!p0 .LBB2_2-.Ltmp0, $4  }
0x1e: {  	s14 =	sadd.s32 s15, s30;
	[sflag:s13] =	ssyncadd.s32 $0xFFFFC000  }
0x1f: {  	[hbm4b:s14+s2] =	stream.linear.scatter [tilespmem:s7], [sflag:$0x2], $0x10000, $0x38;
	[tilespmem:$0x10200] =	vst v63  }
0x20: {  	_ =	swait.ge [sflag:s3], $0x10000  }
0x21: {  	s15 =	sadd.s32 $0xFFFFFFFF, s31;
	[sflag:s3] =	ssyncset.done $0x0  }
.LBB2_1:
0x22: {  	p0 =	sne.s32 s15, $0x1;
	s15 =	sadd.s32 $0xFFFFFFFF, s15;
	[sflag:s3] =	ssyncadd.s32 $0xFFFF0000  }
0x23: {  	[tilespmem:s2], [sflag:$0x2] =	stream.linear.gather [hbm4b:s4+s2], $0x200, $0x38;
	[tilespmem:$0x10200] =	vst v63  }
0x24: {  	_ =	swait.ge [sflag:s3], $0x200  }
0x25: {  	[sflag:s3] =	ssyncset.done $0x0  }
0x26: {  	[sflag:s3] =	ssyncadd.s32 $0xFFFFFE00  }
0x27: {  	[tilespmem:s7], [sflag:$0x1] =	stream.indirect.gather [hbm4b:s5+s6], $0x80, s2, s6, $0xb8;
	[tilespmem:$0x10200] =	vst v63  }
0x28: {  	_ = 	snop  }
0x29: {  	[tilespmem:s8], [sflag:$0x1] =	stream.indirect.gather [hbm4b:s5+s6], $0x80, s6, s6, $0xb8;
	[tilespmem:$0x10200] =	vst v63  }
0x2a: {  	_ = 	snop  }
0x2b: {  	[tilespmem:s10], [sflag:$0x1] =	stream.indirect.gather [hbm4b:s5+s6], $0x80, s9, s6, $0xb8;
	[tilespmem:$0x10200] =	vst v63  }
0x2c: {  	_ = 	snop  }
0x2d: {  	[tilespmem:s12], [sflag:$0x1] =	stream.indirect.gather [hbm4b:s5+s6], $0x80, s11, s6, $0xb8;
	[tilespmem:$0x10200] =	vst v63  }
0x2e: {  	_ =	swait.ge [sflag:s13], $0x4000  }
0x2f: {  	[sflag:s13] =	ssyncset.done $0x0  }
0x30: {  	[sflag:s13] =	ssyncadd.s32 $0xFFFFC000  }
0x31: {  	_ =	swait.ge [sflag:s13], $0x4000  }
0x32: {  	[sflag:s13] =	ssyncset.done $0x0  }
0x33: {  	[sflag:s13] =	ssyncadd.s32 $0xFFFFC000  }
0x34: {  	_ =	swait.ge [sflag:s13], $0x4000  }
0x35: {  	[sflag:s13] =	ssyncset.done $0x0  }
0x36: {  	[sflag:s13] =	ssyncadd.s32 $0xFFFFC000  }
0x37: {  	_ =	swait.ge [sflag:s13], $0x4000  }
.Ltmp1:
0x38: {  	[sflag:s13] =	ssyncset.done $0x0;
	(pc) =	sbr.rel @p0 .LBB2_1-.Ltmp1, $4  }
0x39: {  	[sflag:s13] =	ssyncadd.s32 $0xFFFFC000  }
0x3a: {  	[hbm4b:s14+s2] =	stream.linear.scatter [tilespmem:s7], [sflag:$0x2], $0x10000, $0x38;
	[tilespmem:$0x10200] =	vst v63  }
0x3b: {  	_ =	swait.ge [sflag:s3], $0x10000  }
0x3c: {  	[sflag:s3] =	ssyncset.done $0x0  }
.LBB2_2:
0x3d: {  	[sflag:s3] =	ssyncadd.s32 $0xFFFF0000  }
0x3e: {  	_ =	sfence.sel $0x180000  }
0x3f: {  	[bflag:$0x0] =	sbarrier.arrive $0xFFFF  }
0x40: {  	p0 =	sne.s32 s0, $0x0;
	_ =	strace $0x90000047  }
0x41: {  	s0 =	sadd.s32 @!p0 $0x100000, s1;
	[bflag:$0x2] =	sbarrier.arrive $0xFFFF  }
0x42: {  	[sflag:s0] =	ssyncadd.tile.s32 @!p0 $0x1;
	_ =	shalt  }
.Lfunc_end2:
_tile_overlayer_lowered:
.L_overlay_start_2:
0x43: {  	(tag) =	ssettag $0x2  }
0x44: {  	s0 =	rddreg [dreg:$0x0];
	s2 =	stileid.u32  }
0x45: {  	s1 =	rddreg [dreg:$0x1];
	p0 =	sne.s32 s2, $0x0  }
0x46: {  	s3 =	rddreg [dreg:$0x2];
	[bflag:$0x3] =	sbarrier.arrive $0xFFFF;
	s2 =	simm.s32 @!p0 $0x1C02  }
0x47: {  	[timem:s3], [sflag:s2] =	dma.local @!p0 [hbm:s0], s1  }
0x48: {  	s0 =	simm.s32 @!p0 $0x2  }
0x49: {  	_ =	swait.ge @!p0 [sflag:s0], s1  }
0x4a: {  	s1 =	ssub.s32 @!p0 $0x0, s1;
	[sflag:s0] =	ssyncset.done @!p0 $0x0  }
0x4b: {  	[sflag:s0] =	ssyncadd.s32 @!p0 s1  }
0x4c: {  	[bflag:$0x3] =	sbarrier.arrive $0xFFFF  }
0x4d: {  	_ =	shalt  }

// kernel: sparse-core-data-format-call.cloned.1.call-start
scs
called_computation_lowered:
.L_overlay_start_0:
0x0: {  	s2 =	sld [smem:$0x3FD9]  }
0x1: {  	s3 =	sld [smem:$0x3FFE];
	_ =	sdelay $0x1  }
0x2: {  	s1 =	srdreg.scid  }
0x3: {  	s0 =	sand.u32 $0x1, s1  }
0x4: {  	s18 =	sshll.u32 s0, $0xA;
	s2 =	sadd.s32 s3, s2  }
0x5: {  	s2 =	sadd.s32 s2, s18  }
0x6: {  	[smem:$0x3FBA] =	sst s2  }
0x7: {  	_ = 	snop  }
0x8: {  	s2 =	sld [smem:$0x3FD0];
	(tm) =	ssettm $0x1  }
0x9: {  	s19 =	sld [smem:$0x3FFB];
	_ =	sdelay $0x3  }
0xa: {  	_ =	strace s19  }
0xb: {  	s3 =	sld [smem:$0x3FFC];
	_ =	sdelay $0x3  }
0xc: {  	_ =	strace s3  }
0xd: {  	s3 =	sld [smem:$0x3FFD];
	_ =	sdelay $0x3  }
0xe: {  	_ =	strace s3  }
0xf: {  	_ =	strace $0x8FFFFFFF  }
0x10: {  	s20 =	sld [smem:$0x3FDB];
	_ =	sdelay $0x1  }
0x11: {  	s4 =	simm.s32 $_scs_section_size  }
0x12: {  	s5 =	simm.s32 $_size__tile_overlayer_lowered;
	s6 =	simm.s32 $_tile_overlayer_lowered  }
0x13: {  	s23 =	simm.s32 $0x1BFF;
	s22 =	sshll.u32 s6, $0x1;
	s3 =	sadd.s32 s4, s20  }
0x14: {  	s7 =	simm.s32 $0x0;
	s21 =	sshll.u32 s5, $0x1;
	s5 =	sadd.s32 s22, s3  }
0x15: {  	[timem:s7], [sflag:s23] =	dma.local [hbm:s5], s21  }
0x16: {  	_ =	swait.ge [sflag:s23], s21  }
0x17: {  	s4 =	ssub.s32 $0x0, s21;
	[sflag:s23] =	ssyncset.done $0x0  }
0x18: {  	[sflag:s23] =	ssyncadd.s32 s4;
	_ =	sdelay $0x1  }
0x19: {  	s24 =	simm.s32 $0x1B8B  }
0x1a: {  	_ =	swait.ge [sflag:s24], $0x1  }
0x1b: {  	[sflag:s24] =	ssyncset.done $0x0  }
0x1c: {  	s26 =	simm.s32 $0x1B8E;
	s25 =	sld [smem:$0x3FFE];
	[sflag:s24] =	ssyncadd.s32 $0xFFFFFFFF  }
0x1d: {  	s27 =	simm.s32 $execute0_lowered;
	[smem:$0x3FD2] =	sst s26  }
0x1e: {  	s5 =	sshll.u32 s27, $0x1;
	_ =	strace $0x80000049;
	[dreg:$0x1] =	wrdreg $0xFFFFFFFF  }
0x1f: {  	s28 =	simm.s32 $_size_execute0_lowered;
	s3 =	sadd.s32 s3, s5;
	[dreg:$0x0] =	wrdreg $0x0  }
0x20: {  	s5 =	sshll.u32 s28, $0x1;
	[dreg:$0x2] =	wrdreg s3  }
0x21: {  	[dreg:$0x3] =	wrdreg s5  }
0x22: {  	[dreg:$0x4] =	wrdreg $0xC0  }
0x23: {  	_ =	task [dreg:s7], $0x5FFFF  }
0x24: {  	[dreg:$0x1] =	wrdreg $0xFFFFFFFF  }
0x25: {  	[dreg:$0x0] =	wrdreg $0x60  }
0x26: {  	[dreg:$0x2] =	wrdreg s25  }
0x27: {  	[dreg:$0x3] =	wrdreg s2  }
0x28: {  	[dreg:$0x4] =	wrdreg $0x9  }
0x29: {  	_ =	task.clear_ibuf [dreg:s7], $0x5FFFF;
	_ =	strace $0x90000049  }
0x2a: {  	s29 =	simm.s32 $0x9;
	_ =	strace $0x8000004B  }
0x2b: {  	_ =	swait.ge [sflag:s29], $0x1  }
0x2c: {  	[sflag:s29] =	ssyncadd.s32 $0xFFFFFFFF  }
0x2d: {  	_ =	strace $0x9000004B  }
0x2e: {  	_ =	sfence  }
0x2f: {  	s30 =	sld [smem:$0x0];
	_ =	sdelay $0x2  }
0x30: {  	s31 =	sshll.u32 s1, $0xD;
	s1 =	sshrl.u32 s1, $0x2  }
0x31: {  	s3 =	sand.u32 $0x4000, s31;
	s1 =	sadd.s32 s1, s30  }
0x32: {  	s0 =	sor.u32 s3, s0;
	s1 =	sshll.u32 s1, $0x11  }
0x33: {  	s0 =	sor.u32 s1, s0  }
0x34: {  	s0 =	sadd.s32 $0x8F2B, s0  }
0x35: {  	[sflag:s0] =	ssyncadd.remote.s32 $0x1  }
0x36: {  	_ =	sfence.sel $0xFFFF  }
0x37: {  	[dreg:$0x0] =	wrdreg $0xFFFFFFFF;
	(pc) =	sbr.abs _section_cstart, $3  }
0x38: {  	[dreg:$0x1] =	wrdreg $0xFFFFFFFF  }
0x39: {  	_ =	task.clear_ibuf [dreg:s7], $0x2FFFF;
	_ =	strace $0x9FFFFFFF  }
0x3a: {  	(tm) =	ssettm $0x7FFFFFFF  }
0x3b: {  	_ =	shalt  }
tec
execute0_lowered:
.L_overlay_start_1:
0x0: {  	(tag) =	ssettag $0x1  }
0x1: {  	s0 =	srdreg.scid  }
0x2: {  	s1 =	sshll.u32 s0, $0x4  }
0x3: {  	s4 =	rddreg [dreg:$0x0];
	s0 =	stileid.u32;
	s1 =	sand.u32 $0x10, s1  }
0x4: {  	s2 =	rddreg [dreg:$0x1];
	s7 =	simm.s32 $0x1;
	s1 =	sor.u32 s0, s1  }
0x5: {  	s8 =	simm.s32 $0x2;
	s9 =	simm.s32 $0x0;
	s3 =	sshll.u32 s1, $0x5  }
0x6: {  	s12 =	simm.s32 $0x0;
	s11 =	simm.s32 $0x0;
	s6 =	ssub.s32 $0x4000, s3  }
.Ltmp0:
0x7: {  	s4 =	sadd.s32 $0x2A00, s4;
	s5 =	sand.u32 $0x3E0, s6;
	(pc) =	sbr.rel .LBB1_1-.Ltmp0, $4  }
0x8: {  	s1 =	rddreg [dreg:$0x2];
	_ =	strace $0x8000004A;
	p0 =	sne.s32 s5, $0x0  }
0x9: {  	s6 =	sshrl.u32 s6, $0xA;
	s5 =	simm.s32 $0x1;
	s7 =	simm.s32 @!p0 $0x0  }
0xa: {  	s10 =	smov.u32 s3;
	[sflag:s5] =	ssyncpa.u1 $0x0;
	s6 =	sadd.s32 s7, s6  }
0xb: {  	[sflag:s8] =	ssyncpa.u1 $0x0;
	s8 =	simm.s32 $0x0;
	s7 =	sadd.s32 $0x1, s6  }
.LBB1_4:
0xc: {  	_ = 	snop  }
0xd: {  	[tilespmem:s15+$0x60] =	vst v7  }
0xe: {  	[tilespmem:s15+$0x70] =	vst v6  }
0xf: {  	[tilespmem:s15+$0x90] =	vst v4  }
0x10: {  	s18 =	sor.u32 s20, s19;
	v31 =	vld.idx.msk [tilespmem:v0+s16+$0xC70 ss:$0x1], $0xffff;
	[tilespmem:s15+$0xA0] =	vst v1  }
0x11: {  	[tilespmem:s15+$0xB0] =	vst v2;
	v43 =	vld.idx.msk [tilespmem:v0+s18+$0x410 ss:$0x1], $0xffff  }
0x12: {  	[tilespmem:s15+$0xC0] =	vst v3;
	v44 =	vld.idx.msk [tilespmem:v0+s18+$0x420 ss:$0x1], $0xffff  }
0x13: {  	[tilespmem:s15+$0xD0] =	vst v5;
	v45 =	vld.idx.msk [tilespmem:v0+s18+$0x430 ss:$0x1], $0xffff  }
0x14: {  	[tilespmem:s15+$0xE0] =	vst v8;
	v46 =	vld.idx.msk [tilespmem:v0+s18+$0x440 ss:$0x1], $0xffff  }
0x15: {  	s31 =	sadd.s32 $0x200, s15;
	v47 =	vld.idx.msk [tilespmem:v0+s18+$0x450 ss:$0x1], $0xffff;
	[tilespmem:s15+$0xF0] =	vst v31  }
0x16: {  	v48 =	vld.idx.msk [tilespmem:v0+s18+$0x460 ss:$0x1], $0xffff;
	[tilespmem:s31+$0xFFFFFF90] =	vst v43  }
0x17: {  	v49 =	vld.idx.msk [tilespmem:v0+s18+$0x470 ss:$0x1], $0xffff;
	[tilespmem:s31+$0xFFFFFFA0] =	vst v44  }
0x18: {  	v50 =	vld.idx.msk [tilespmem:v0+s18+$0x810 ss:$0x1], $0xffff;
	[tilespmem:s31+$0xFFFFFFB0] =	vst v45  }
0x19: {  	v51 =	vld.idx.msk [tilespmem:v0+s18+$0x820 ss:$0x1], $0xffff;
	[tilespmem:s31+$0xFFFFFFC0] =	vst v46  }
0x1a: {  	v52 =	vld.idx.msk [tilespmem:v0+s18+$0x830 ss:$0x1], $0xffff;
	[tilespmem:s31+$0xFFFFFFD0] =	vst v47  }
0x1b: {  	v53 =	vld.idx.msk [tilespmem:v0+s18+$0x840 ss:$0x1], $0xffff;
	[tilespmem:s31+$0xFFFFFFE0] =	vst v48  }
0x1c: {  	v54 =	vld.idx.msk [tilespmem:v0+s18+$0x850 ss:$0x1], $0xffff;
	[tilespmem:s31+$0xFFFFFFF0] =	vst v49  }
0x1d: {  	v55 =	vld.idx.msk [tilespmem:v0+s18+$0x860 ss:$0x1], $0xffff;
	[tilespmem:s31+$0x10] =	vst v50  }
0x1e: {  	v56 =	vld.idx.msk [tilespmem:v0+s18+$0x870 ss:$0x1], $0xffff;
	[tilespmem:s31+$0x20] =	vst v51  }
0x1f: {  	v57 =	vld.idx.msk [tilespmem:v0+s18+$0xC10 ss:$0x1], $0xffff;
	[tilespmem:s31+$0x30] =	vst v52  }
0x20: {  	v58 =	vld.idx.msk [tilespmem:v0+s18+$0xC20 ss:$0x1], $0xffff;
	[tilespmem:s31+$0x40] =	vst v53  }
0x21: {  	v59 =	vld.idx.msk [tilespmem:v0+s18+$0xC30 ss:$0x1], $0xffff;
	[tilespmem:s31+$0x50] =	vst v54  }
0x22: {  	v60 =	vld.idx.msk [tilespmem:v0+s18+$0xC40 ss:$0x1], $0xffff;
	[tilespmem:s31+$0x60] =	vst v55  }
0x23: {  	s19 =	sand.u32 $0x3200, s18;
	v61 =	vld.idx.msk [tilespmem:v0+s18+$0xC50 ss:$0x1], $0xffff;
	[tilespmem:s31+$0x70] =	vst v56  }
0x24: {  	s17 =	sand.u32 $0x180, s17;
	v62 =	vld.idx.msk [tilespmem:v0+s18+$0xC60 ss:$0x1], $0xffff;
	s14 =	sadd.s32 s19, s14;
	[tilespmem:s31+$0x90] =	vst v57  }
0x25: {  	v63 =	vld.idx.msk [tilespmem:v0+s18+$0xC70 ss:$0x1], $0xffff;
	s14 =	sadd.s32 s17, s14;
	[tilespmem:s31+$0xA0] =	vst v58  }
0x26: {  	v32 =	vld [tilespmem:s14+$0xC00];
	[tilespmem:s31+$0xB0] =	vst v59  }
0x27: {  	v33 =	vld [tilespmem:s14+$0x0];
	[tilespmem:s31+$0xC0] =	vst v60  }
0x28: {  	v34 =	vld [tilespmem:s14+$0x10];
	[tilespmem:s31+$0xD0] =	vst v61  }
0x29: {  	v35 =	vld [tilespmem:s14+$0x20];
	[tilespmem:s31+$0xE0] =	vst v62  }
0x2a: {  	v36 =	vld [tilespmem:s14+$0x30];
	[tilespmem:s31+$0xF0] =	vst v63  }
0x2b: {  	v37 =	vld [tilespmem:s14+$0x40];
	[tilespmem:s31+$0x80] =	vst v32  }
0x2c: {  	v38 =	vld [tilespmem:s14+$0x50];
	[tilespmem:s31+$0xFFFFFF00] =	vst v33  }
0x2d: {  	v39 =	vld [tilespmem:s14+$0x60];
	[tilespmem:s31+$0xFFFFFF10] =	vst v34  }
0x2e: {  	v40 =	vld [tilespmem:s14+$0x70];
	[tilespmem:s31+$0xFFFFFF20] =	vst v35  }
0x2f: {  	v41 =	vld [tilespmem:s14+$0x400];
	[tilespmem:s31+$0xFFFFFF30] =	vst v36  }
0x30: {  	v42 =	vld [tilespmem:s14+$0x800];
	[tilespmem:s31+$0xFFFFFF40] =	vst v37  }
0x31: {  	[tilespmem:s31+$0xFFFFFF50] =	vst v38  }
0x32: {  	[tilespmem:s31+$0xFFFFFF60] =	vst v39  }
0x33: {  	[tilespmem:s31+$0xFFFFFF70] =	vst v40  }
0x34: {  	s12 =	sshll.u32 s12, $0x6;
	[tilespmem:s31+$0xFFFFFF80] =	vst v41  }
0x35: {  	s12 =	sadd.s32 s2, s12;
	[tilespmem:s31+$0x0] =	vst v42  }
0x36: {  	[hbm4b:s12+s8] =	stream.linear.scatter [tilespmem:s13], [sflag:$0x2], $0x4000, $0x38;
	[tilespmem:$0x10000] =	vst v63  }
.LBB1_5:
0x37: {  	s14 =	sadd.s32 $0x400, s10  }
0x38: {  	p1 =	sgt.s32 s14, $0x3FFF  }
0x39: {  	s14 =	smov.u32 @p1 s3;
	p1 =	sne.s32 s11, s7  }
.Ltmp1:
0x3a: {  	p0 =	slt.u32 s11, $0x2;
	(pc) =	sbr.rel @!p1 .LBB1_6-.Ltmp1, $4  }
0x3b: {  	s13 =	simm.s32 @!p0 $0x2  }
0x3c: {  	s15 =	sadd.s32 $0x1, s11;
	_ =	swait.ge @!p0 [sflag:s13], $0x4000  }
0x3d: {  	s12 =	smov.u32 s10;
	s9 =	sadd.s32 $0x4000, s9;
	[sflag:s13] =	ssyncset.done @!p0 $0x0  }
0x3e: {  	s11 =	smov.u32 s15;
	s10 =	smov.u32 s14;
	[sflag:s13] =	ssyncadd.s32 @!p0 $0xFFFFC000  }
.LBB1_1:
0x3f: {  	p0 =	sge.u32 s11, s6  }
0x40: {  	s13 =	sshll.u32 @!p0 s10, $0x9;
	s14 =	sshll.u32 @!p0 s10, $0x7  }
0x41: {  	s13 =	sand.u32 @!p0 $0x7FF000, s13;
	s14 =	sand.u32 @!p0 $0x380, s14  }
0x42: {  	s15 =	sxor.u32 @!p0 $0xFFFFFFFF, s11;
	s13 =	sor.u32 @!p0 s14, s13  }
0x43: {  	s31 =	sadd.s32 $0xFFFFFFFF, s11;
	s14 =	sshll.u32 @!p0 s15, $0xE;
	s13 =	sshrl.u32 @!p0 s13, $0x3  }
0x44: {  	s15 =	simm.s32 @!p0 $0x0;
	s14 =	sand.u32 @!p0 $0x4000, s14;
	s13 =	sadd.s32 @!p0 s4, s13  }
0x45: {  	[tilespmem:s14], [sflag:$0x1] =	stream.linear.gather @!p0 [hbm4b:s13+s15], $0x4000, $0x38;
	[tilespmem:$0x10000] =	vst v63  }
0x46: {  	p0 =	sge.u32 s31, s6  }
.Ltmp2:
0x47: {  	_ = 	snop;
	(pc) =	sbr.rel @p0 .LBB1_5-.Ltmp2, $1  }
0x48: {  	_ =	sdelay $0x3  }
0x49: {  	s30 =	simm.s32 $0x0  }
0x4a: {  	s15 =	sand.u32 $0x3000, s30;
	s16 =	sand.u32 $0x380, s30  }
0x4b: {  	s13 =	sshll.u32 s11, $0xE;
	s16 =	sor.u32 s16, s15  }
0x4c: {  	_ =	swait.ge [sflag:s5], $0x4000;
	s14 =	sand.u32 $0x4000, s13;
	s15 =	sand.u32 $0x3200, s16  }
0x4d: {  	[sflag:s5] =	ssyncset.done $0x0;
	s13 =	sand.u32 $0x180, s30;
	s15 =	sadd.s32 s15, s14  }
0x4e: {  	[sflag:s5] =	ssyncadd.s32 $0xFFFFC000;
	s13 =	sadd.s32 s13, s15  }
0x4f: {  	v4 =	vld [tilespmem:s13+$0xC00]  }
0x50: {  	v0 =	vmov s14;
	v5 =	vld [tilespmem:s13+$0x0]  }
0x51: {  	v6 =	vld [tilespmem:s13+$0x10]  }
0x52: {  	v7 =	vld [tilespmem:s13+$0x20]  }
0x53: {  	v8 =	vld [tilespmem:s13+$0x30]  }
0x54: {  	v9 =	vld [tilespmem:s13+$0x40]  }
0x55: {  	s31 =	sand.u32 $0x4000, s9;
	v1 =	vld.idx.msk [tilespmem:v0+s16+$0x410 ss:$0x1], $0xffff  }
0x56: {  	s15 =	sor.u32 $0x8100, s31;
	v2 =	vld.idx.msk [tilespmem:v0+s16+$0x420 ss:$0x1], $0xffff  }
0x57: {  	v3 =	vld.idx.msk [tilespmem:v0+s16+$0x430 ss:$0x1], $0xffff;
	[tilespmem:s15+$0x80] =	vst v4  }
0x58: {  	v10 =	vld.idx.msk [tilespmem:v0+s16+$0x820 ss:$0x1], $0xffff;
	[tilespmem:s15+$0xFFFFFF00] =	vst v5  }
0x59: {  	v11 =	vld.idx.msk [tilespmem:v0+s16+$0x830 ss:$0x1], $0xffff;
	[tilespmem:s15+$0xFFFFFF10] =	vst v6  }
0x5a: {  	v12 =	vld.idx.msk [tilespmem:v0+s16+$0x840 ss:$0x1], $0xffff;
	[tilespmem:s15+$0xFFFFFF20] =	vst v7  }
0x5b: {  	v13 =	vld.idx.msk [tilespmem:v0+s16+$0x850 ss:$0x1], $0xffff;
	[tilespmem:s15+$0xFFFFFF30] =	vst v8  }
0x5c: {  	v4 =	vld [tilespmem:s13+$0x50];
	[tilespmem:s15+$0xFFFFFF40] =	vst v9  }
0x5d: {  	v5 =	vld [tilespmem:s13+$0x60];
	[tilespmem:s15+$0xFFFFFF90] =	vst v1  }
0x5e: {  	v6 =	vld [tilespmem:s13+$0x70];
	[tilespmem:s15+$0xFFFFFFA0] =	vst v2  }
0x5f: {  	v7 =	vld [tilespmem:s13+$0x400];
	[tilespmem:s15+$0xFFFFFFB0] =	vst v3  }
0x60: {  	v8 =	vld [tilespmem:s13+$0x800];
	[tilespmem:s15+$0x20] =	vst v10  }
0x61: {  	v9 =	vld.idx.msk [tilespmem:v0+s16+$0x470 ss:$0x1], $0xffff;
	[tilespmem:s15+$0x30] =	vst v11  }
0x62: {  	v1 =	vld.idx.msk [tilespmem:v0+s16+$0xC20 ss:$0x1], $0xffff;
	[tilespmem:s15+$0x40] =	vst v12  }
0x63: {  	v2 =	vld.idx.msk [tilespmem:v0+s16+$0xC30 ss:$0x1], $0xffff;
	[tilespmem:s15+$0x50] =	vst v13  }
0x64: {  	v3 =	vld.idx.msk [tilespmem:v0+s16+$0xC40 ss:$0x1], $0xffff;
	[tilespmem:s15+$0xFFFFFF50] =	vst v4  }
0x65: {  	[tilespmem:s15+$0xFFFFFF70] =	vst v6;
	v6 =	vld.idx.msk [tilespmem:v0+s16+$0x460 ss:$0x1], $0xffff  }
0x66: {  	v4 =	vld.idx.msk [tilespmem:v0+s16+$0x440 ss:$0x1], $0xffff;
	[tilespmem:s15+$0xFFFFFF60] =	vst v5  }
0x67: {  	v5 =	vld.idx.msk [tilespmem:v0+s16+$0x450 ss:$0x1], $0xffff;
	[tilespmem:s15+$0xFFFFFF80] =	vst v7  }
0x68: {  	[tilespmem:s15+$0x0] =	vst v8;
	v8 =	vld.idx.msk [tilespmem:v0+s16+$0x810 ss:$0x1], $0xffff  }
0x69: {  	v7 =	vld.idx.msk [tilespmem:v0+s16+$0x860 ss:$0x1], $0xffff;
	[tilespmem:s15+$0xFFFFFFF0] =	vst v9  }
0x6a: {  	[tilespmem:s15+$0xFFFFFFE0] =	vst v6;
	v6 =	vld.idx.msk [tilespmem:v0+s16+$0x870 ss:$0x1], $0xffff  }
0x6b: {  	s18 =	simm.s32 $0x200;
	[tilespmem:s15+$0xFFFFFFC0] =	vst v4;
	v4 =	vld.idx.msk [tilespmem:v0+s16+$0xC10 ss:$0x1], $0xffff  }
0x6c: {  	s17 =	simm.s32 $0x80;
	s19 =	sand.u32 $0x3000, s18;
	[tilespmem:s15+$0xFFFFFFD0] =	vst v5;
	v5 =	vld.idx.msk [tilespmem:v0+s16+$0xC50 ss:$0x1], $0xffff  }
0x6d: {  	s20 =	sand.u32 $0x380, s17;
	s18 =	simm.s32 $0x400;
	s13 =	sor.u32 $0x8000, s14;
	[tilespmem:s15+$0x10] =	vst v8;
	v8 =	vld.idx.msk [tilespmem:v0+s16+$0xC60 ss:$0x1], $0xffff  }
.LBB1_3:
0x6e: {  	p0 =	sne.s32 s18, $0x3E00;
	[tilespmem:s15+$0x60] =	vst v7;
	v7 =	vld.idx.msk [tilespmem:v0+s16+$0xC70 ss:$0x1], $0xffff;
	s16 =	sor.u32 s20, s19  }
0x6f: {  	s19 =	sand.u32 $0x3200, s16;
	v9 =	vld.idx.msk [tilespmem:v0+s16+$0x410 ss:$0x1], $0xffff;
	[tilespmem:s15+$0x70] =	vst v6  }
0x70: {  	s20 =	sand.u32 $0x180, s17;
	s19 =	sadd.s32 s19, s14;
	v6 =	vld.idx.msk [tilespmem:v0+s16+$0x420 ss:$0x1], $0xffff;
	[tilespmem:s15+$0x90] =	vst v4  }
0x71: {  	s19 =	sadd.s32 s20, s19;
	v4 =	vld.idx.msk [tilespmem:v0+s16+$0x430 ss:$0x1], $0xffff;
	[tilespmem:s15+$0xA0] =	vst v1  }
0x72: {  	v1 =	vld [tilespmem:s19+$0xC00];
	[tilespmem:s15+$0xB0] =	vst v2  }
0x73: {  	v2 =	vld [tilespmem:s19+$0x0];
	[tilespmem:s15+$0xC0] =	vst v3  }
0x74: {  	v3 =	vld [tilespmem:s19+$0x10];
	[tilespmem:s15+$0xD0] =	vst v5  }
0x75: {  	v5 =	vld [tilespmem:s19+$0x20];
	[tilespmem:s15+$0xE0] =	vst v8  }
0x76: {  	v8 =	vld [tilespmem:s19+$0x30];
	[tilespmem:s15+$0xF0] =	vst v7;
	s15 =	sadd.s32 $0x200, s15  }
0x77: {  	v7 =	vld [tilespmem:s19+$0x40];
	[tilespmem:s15+$0x80] =	vst v1  }
0x78: {  	[tilespmem:s15+$0xFFFFFF00] =	vst v2;
	v1 =	vld [tilespmem:s19+$0x50]  }
0x79: {  	[tilespmem:s15+$0xFFFFFF10] =	vst v3;
	v2 =	vld [tilespmem:s19+$0x60]  }
0x7a: {  	[tilespmem:s15+$0xFFFFFF20] =	vst v5;
	v3 =	vld [tilespmem:s19+$0x70]  }
0x7b: {  	[tilespmem:s15+$0xFFFFFF30] =	vst v8;
	v5 =	vld [tilespmem:s19+$0x400]  }
0x7c: {  	[tilespmem:s15+$0xFFFFFF40] =	vst v7;
	v7 =	vld [tilespmem:s19+$0x800]  }
0x7d: {  	[tilespmem:s15+$0xFFFFFF50] =	vst v1;
	v1 =	vld.idx.msk [tilespmem:v0+s16+$0x440 ss:$0x1], $0xffff  }
0x7e: {  	[tilespmem:s15+$0xFFFFFF60] =	vst v2;
	v2 =	vld.idx.msk [tilespmem:v0+s16+$0x450 ss:$0x1], $0xffff  }
0x7f: {  	[tilespmem:s15+$0xFFFFFF70] =	vst v3;
	v3 =	vld.idx.msk [tilespmem:v0+s16+$0x460 ss:$0x1], $0xffff  }
0x80: {  	[tilespmem:s15+$0xFFFFFF80] =	vst v5;
	v5 =	vld.idx.msk [tilespmem:v0+s16+$0x470 ss:$0x1], $0xffff  }
0x81: {  	[tilespmem:s15+$0x0] =	vst v7;
	v8 =	vld.idx.msk [tilespmem:v0+s16+$0x810 ss:$0x1], $0xffff  }
0x82: {  	[tilespmem:s15+$0xFFFFFF90] =	vst v9;
	v9 =	vld.idx.msk [tilespmem:v0+s16+$0x820 ss:$0x1], $0xffff  }
0x83: {  	[tilespmem:s15+$0xFFFFFFA0] =	vst v6;
	v10 =	vld.idx.msk [tilespmem:v0+s16+$0x830 ss:$0x1], $0xffff  }
0x84: {  	[tilespmem:s15+$0xFFFFFFB0] =	vst v4;
	v11 =	vld.idx.msk [tilespmem:v0+s16+$0x840 ss:$0x1], $0xffff  }
0x85: {  	[tilespmem:s15+$0xFFFFFFC0] =	vst v1;
	v12 =	vld.idx.msk [tilespmem:v0+s16+$0x850 ss:$0x1], $0xffff  }
0x86: {  	[tilespmem:s15+$0xFFFFFFD0] =	vst v2;
	v7 =	vld.idx.msk [tilespmem:v0+s16+$0x860 ss:$0x1], $0xffff  }
0x87: {  	[tilespmem:s15+$0xFFFFFFE0] =	vst v3;
	v6 =	vld.idx.msk [tilespmem:v0+s16+$0x870 ss:$0x1], $0xffff  }
0x88: {  	[tilespmem:s15+$0xFFFFFFF0] =	vst v5;
	v4 =	vld.idx.msk [tilespmem:v0+s16+$0xC10 ss:$0x1], $0xffff  }
.Ltmp3:
0x89: {  	[tilespmem:s15+$0x10] =	vst v8;
	v1 =	vld.idx.msk [tilespmem:v0+s16+$0xC20 ss:$0x1], $0xffff;
	(pc) =	sbr.rel @p0 .LBB1_3-.Ltmp3, $4  }
0x8a: {  	[tilespmem:s15+$0x20] =	vst v9;
	v2 =	vld.idx.msk [tilespmem:v0+s16+$0xC30 ss:$0x1], $0xffff  }
0x8b: {  	[tilespmem:s15+$0x30] =	vst v10;
	v3 =	vld.idx.msk [tilespmem:v0+s16+$0xC40 ss:$0x1], $0xffff  }
0x8c: {  	s17 =	sadd.s32 $0x80, s17;
	[tilespmem:s15+$0x40] =	vst v11;
	v5 =	vld.idx.msk [tilespmem:v0+s16+$0xC50 ss:$0x1], $0xffff  }
0x8d: {  	s20 =	sand.u32 $0x380, s17;
	s19 =	sand.u32 $0x3000, s18;
	s18 =	sadd.s32 $0x200, s18;
	[tilespmem:s15+$0x50] =	vst v12;
	v8 =	vld.idx.msk [tilespmem:v0+s16+$0xC60 ss:$0x1], $0xffff  }
.Ltmp4:
0x8e: {  	_ = 	snop;
	(pc) =	sbr.rel .LBB1_4-.Ltmp4, $1  }
0x8f: {  	_ =	sdelay $0x3  }
.LBB1_6:
0x90: {  	_ =	sfence.sel $0x180000  }
0x91: {  	s2 =	simm.s32 $0x1;
	[bflag:$0x0] =	sbarrier.arrive $0xFFFF  }
0x92: {  	s31 =	simm.s32 $0x2;
	[sflag:s2] =	ssyncpa.u1 $0x1  }
0x93: {  	[sflag:s31] =	ssyncpa.u1 $0x1  }
0x94: {  	p0 =	sne.s32 s0, $0x0;
	_ =	strace $0x9000004A  }
0x95: {  	s0 =	sadd.s32 @!p0 $0x100000, s1;
	[bflag:$0x2] =	sbarrier.arrive $0xFFFF  }
0x96: {  	[sflag:s0] =	ssyncadd.tile.s32 @!p0 $0x1;
	_ =	shalt  }
.Lfunc_end1:
_tile_overlayer_lowered:
.L_overlay_start_2:
0x97: {  	(tag) =	ssettag $0x2  }
0x98: {  	s0 =	rddreg [dreg:$0x0];
	s2 =	stileid.u32  }
0x99: {  	s1 =	rddreg [dreg:$0x1];
	p0 =	sne.s32 s2, $0x0  }
0x9a: {  	s3 =	rddreg [dreg:$0x2];
	[bflag:$0x3] =	sbarrier.arrive $0xFFFF;
	s2 =	simm.s32 @!p0 $0x1C01  }
0x9b: {  	[timem:s3], [sflag:s2] =	dma.local @!p0 [hbm:s0], s1  }
0x9c: {  	s0 =	simm.s32 @!p0 $0x1  }
0x9d: {  	_ =	swait.ge @!p0 [sflag:s0], s1  }
0x9e: {  	s1 =	ssub.s32 @!p0 $0x0, s1;
	[sflag:s0] =	ssyncset.done @!p0 $0x0  }
0x9f: {  	[sflag:s0] =	ssyncadd.s32 @!p0 s1  }
0xa0: {  	[bflag:$0x3] =	sbarrier.arrive $0xFFFF  }
0xa1: {  	_ =	shalt  }

</sc_bundles>
